<compile_context>
chip_gen: v7x
topology: tpu7x:2x2x1
jax: 0.10.2.dev20260603
libtpu: 0.0.44.dev20260713+nightly
codegen_flags: <defaults>
</compile_context>

<pallas_src>
import functools

import jax
import jax.numpy as jnp
from jax import lax
from jax.experimental import pallas as pl
from jax.experimental.pallas import tpu as pltpu
from jax.experimental.pallas import tpu_sc as plsc

_B = 16384
_F = 26
_FG = 4
_FPG = 8
_V = 100000
_D = 16
_NC = 2
_NS = 16
_NW = _NC * _NS
_L = 16

_ROWS = _B * _FG * _FPG
_GROUP = _B * _FPG
_CHUNK = _GROUP // _NW
_VB = 2048


def _tr_body(x_ref, o_ref):
    o_ref[0] = x_ref[...].T


def _tc_transpose(tab2):
    nv = (_V + _VB - 1) // _VB
    return pl.pallas_call(
        _tr_body,
        grid=(_FG, nv),
        in_specs=[pl.BlockSpec((128, _VB), lambda r, v: (r, v))],
        out_specs=pl.BlockSpec((1, _VB, 128), lambda r, v: (r, v, 0)),
        out_shape=jax.ShapeDtypeStruct((_FG, _V, _FPG * _D), jnp.float32),
    )(tab2)


def _sc_gather(tab_lin, idx_flat):
    mesh = plsc.VectorSubcoreMesh(
        core_axis_name="c", subcore_axis_name="s",
        num_cores=_NC, num_subcores=_NS)

    @functools.partial(
        pl.kernel,
        out_type=jax.ShapeDtypeStruct((_ROWS, _D), jnp.float32),
        mesh=mesh,
        scratch_types=[
            pltpu.VMEM((_CHUNK,), jnp.int32),
            pltpu.VMEM((_CHUNK, _D), jnp.float32),
            pltpu.SemaphoreType.DMA,
        ],
        compiler_params=pltpu.CompilerParams(use_tc_tiling_on_sc=False),
    )
    def body(tab_hbm, idx_hbm, out_hbm, idx_v, rows_v, sem):
        wid = lax.axis_index("s") * _NC + lax.axis_index("c")
        lane = lax.broadcasted_iota(jnp.int32, (_L,), 0)

        for a in range(_FG):
            gbase = a * _GROUP + wid * _CHUNK
            pltpu.sync_copy(idx_hbm.at[pl.ds(gbase, _CHUNK)], idx_v)

            def add_off(i, _, a=a):
                fl = (i * _L + lane) & (_FPG - 1)
                row = idx_v[pl.ds(i * _L, _L)] * _FPG + fl + a * _FPG * _V
                if a == _FG - 1:
                    row = jnp.where(fl < _F - _FPG * a, row, 0)
                idx_v[pl.ds(i * _L, _L)] = row
                return 0
            lax.fori_loop(0, _CHUNK // _L, add_off, 0, unroll=4)

            pltpu.async_copy(tab_hbm.at[idx_v], rows_v, sem).wait()
            pltpu.sync_copy(rows_v, out_hbm.at[pl.ds(gbase, _CHUNK)])

    return body(tab_lin, idx_flat)


def _mlp_body(e4, xc, w0, w1, w2, w3, wb, b1, W2, b2, W3, b3,
              W4, b4, out):
    h = jnp.dot(e4[0], w0[...], preferred_element_type=jnp.float32)
    h += jnp.dot(e4[1], w1[...], preferred_element_type=jnp.float32)
    h += jnp.dot(e4[2], w2[...], preferred_element_type=jnp.float32)
    h += jnp.dot(e4[3], w3[...], preferred_element_type=jnp.float32)
    h += jnp.dot(xc[...], wb[...], preferred_element_type=jnp.float32)
    h = jnp.maximum(h + b1[...], 0.0)
    h = jnp.maximum(
        jnp.dot(h, W2[...], preferred_element_type=jnp.float32) + b2[...], 0.0)
    h = jnp.maximum(
        jnp.dot(h, W3[...], preferred_element_type=jnp.float32) + b3[...], 0.0)
    out[...] = jnp.dot(h, W4[...], preferred_element_type=jnp.float32) + b4[...]


def _tc_mlp(emb4, xc_pad, w1parts, w1b, b1, W2, b2, W3, b3, W4, b4):
    bm = 1024
    h1, h2, h3, od = W2.shape[0], W2.shape[1], W3.shape[1], W4.shape[1]
    xk = xc_pad.shape[1]
    grid = (_B // bm,)
    full = lambda r, c: pl.BlockSpec((r, c), lambda i: (0, 0))
    eb = pl.BlockSpec((_FG, bm, 128), lambda i: (0, i, 0))
    return pl.pallas_call(
        _mlp_body,
        grid=grid,
        in_specs=[eb, pl.BlockSpec((bm, xk), lambda i: (i, 0))]
        + [full(128, h1)] * _FG
        + [full(xk, h1), full(1, h1), full(h1, h2), full(1, h2),
           full(h2, h3), full(1, h3), full(h3, od), full(1, od)],
        out_specs=pl.BlockSpec((bm, od), lambda i: (i, 0)),
        out_shape=jax.ShapeDtypeStruct((_B, od), jnp.float32),
    )(emb4, xc_pad, *w1parts, w1b, b1, W2, b2, W3, b3, W4, b4)


def kernel(x_categ, x_cont, embed_tables, W1, b1, W2, b2, W3, b3, W4, b4):
    tab2 = jnp.transpose(embed_tables, (0, 2, 1)).reshape(_F * _D, _V)
    tab_big = _tc_transpose(tab2)
    tab_lin = tab_big.reshape(_FG * _V * _FPG, _D)

    x_pad = jnp.pad(x_categ, ((0, 0), (0, _FG * _FPG - _F)))
    idx_flat = x_pad.reshape(_B, _FG, _FPG).transpose(1, 0, 2).reshape(_ROWS)

    emb4 = _sc_gather(tab_lin, idx_flat).reshape(_FG, _B, _FPG * _D)

    xc_pad = jnp.pad(x_cont, ((0, 0), (0, 3)))
    w1parts = [W1[a * 128:(a + 1) * 128] for a in range(_FG - 1)]
    w1parts.append(jnp.concatenate(
        [W1[384:_F * _D], jnp.zeros((128 - 32, W1.shape[1]), W1.dtype)]))
    w1b = jnp.pad(W1[_F * _D:], ((0, 3), (0, 0)))
    logits = _tc_mlp(
        emb4, xc_pad, w1parts, w1b, b1.reshape(1, -1), W2, b2.reshape(1, -1),
        W3, b3.reshape(1, -1), W4, b4.reshape(1, -1))
    return logits

# --- scband reference (transcript-rebuilt; emitter-appended) ---
"""Pipeline reference for scband-mlptable-net-51548197486616 (READ-ONLY COPY).

The authoritative reference and input builder live on the scoring server;
editing this copy changes nothing except your own understanding.
"""

import jax, jax.numpy as jnp
import numpy as np

B = 16384
NUM_FIELDS = 26
VOCAB = 100000
EMB_DIM = 16
NUM_CONT = 13
IN_DIM = NUM_FIELDS * EMB_DIM + NUM_CONT  # 429
HIDDEN = [256, 128, 128]
OUT_DIM = 128


def setup_inputs(seed: int = 0) -> dict:
    key = jax.random.key(seed)
    ks = jax.random.split(key, 16)
    x_categ = jax.random.randint(ks[0], (B, NUM_FIELDS), 0, VOCAB, dtype=jnp.int64 if jax.config.jax_enable_x64 else jnp.int32).astype(jnp.int32)
    x_cont = jax.random.normal(ks[1], (B, NUM_CONT), dtype=jnp.float32)
    embed_tables = jax.random.normal(ks[2], (NUM_FIELDS, VOCAB, EMB_DIM), dtype=jnp.float32) * 0.05
    W1 = jax.random.normal(ks[3], (IN_DIM, HIDDEN[0]), dtype=jnp.float32) * (1.0 / np.sqrt(IN_DIM))
    b1 = jnp.zeros((HIDDEN[0],), dtype=jnp.float32)
    W2 = jax.random.normal(ks[4], (HIDDEN[0], HIDDEN[1]), dtype=jnp.float32) * (1.0 / np.sqrt(HIDDEN[0]))
    b2 = jnp.zeros((HIDDEN[1],), dtype=jnp.float32)
    W3 = jax.random.normal(ks[5], (HIDDEN[1], HIDDEN[2]), dtype=jnp.float32) * (1.0 / np.sqrt(HIDDEN[1]))
    b3 = jnp.zeros((HIDDEN[2],), dtype=jnp.float32)
    W4 = jax.random.normal(ks[6], (HIDDEN[2], OUT_DIM), dtype=jnp.float32) * (1.0 / np.sqrt(HIDDEN[2]))
    b4 = jnp.zeros((OUT_DIM,), dtype=jnp.float32)
    return {"x_categ": x_categ, "x_cont": x_cont, "embed_tables": embed_tables,
            "W1": W1, "b1": b1, "W2": W2, "b2": b2, "W3": W3, "b3": b3, "W4": W4, "b4": b4}


def reference(x_categ, x_cont, embed_tables, W1, b1, W2, b2, W3, b3, W4, b4):
    # Per-field embedding gather: embed_tables[i][x_categ[:, i]] for each field i
    field_idx = jnp.arange(NUM_FIELDS)[None, :]  # [1, 26]
    emb = embed_tables[field_idx, x_categ]       # [B, 26, 16] via advanced-index gather
    x_categ_emb = emb.reshape(x_categ.shape[0], NUM_FIELDS * EMB_DIM)  # torch.cat of per-field embeds
    x = jnp.concatenate([x_categ_emb, x_cont], axis=-1)  # [B, 429]
    h = jax.nn.relu(x @ W1 + b1)
    h = jax.nn.relu(h @ W2 + b2)
    h = jax.nn.relu(h @ W3 + b3)
    logits = h @ W4 + b4
    return logits

if __name__ == "__main__":
    import jax
    _d = setup_inputs()
    print(jax.jit(kernel)(*tuple(_d.values())))

</pallas_src>

<mosaic_0001>
#map = affine_map<(d0, d1) -> (0, 0)>
#map1 = affine_map<(d0, d1) -> (0)>
module attributes {stable_mosaic.version = 14 : i64} {
  func.func @body(%arg0: i32, %arg1: i32, %arg2: memref<3200000x16xf32, #tpu.memory_space<hbm>>, %arg3: memref<524288xi32, #tpu.memory_space<hbm>>, %arg4: memref<524288x16xf32, #tpu.memory_space<hbm>>, %arg5: memref<4096xi32, #tpu.memory_space<vmem>>, %arg6: memref<4096x16xf32, #tpu.memory_space<vmem>>, %arg7: memref<!tpu.dma_semaphore, #tpu.memory_space<semaphore_mem>>) attributes {dimension_semantics = [#tpu.dimension_semantics<core_parallel>, #tpu.dimension_semantics<subcore_parallel>], iteration_bounds = array<i64: 2, 16>, scalar_prefetch = 0 : i64, scratch_operands = 3 : i64, tpu.core_type = #tpu.core_type<sc_vector_subcore>, window_params = [{transform_indices = #map}, {transform_indices = #map1}, {transform_indices = #map}]} {
    %mul3A = arith.constant 2 : i32
    %mul3A_0 = arith.muli %arg1, %mul3A : i32
    %add3A = arith.addi %mul3A_0, %arg0 : i32
    %iota3A = tpu.iota {dimensions = array<i32: 0>} : vector<16xi32>
    %mul3A_1 = arith.constant 4096 : i32
    %mul3A_2 = arith.muli %add3A, %mul3A_1 : i32
    %add3A_3 = arith.constant 0 : i32
    %add3A_4 = arith.addi %add3A_3, %mul3A_2 : i32
    "tpu.region"() ({
      %run_scoped3A = tpu.sem_alloc : memref<!tpu.dma_semaphore, #tpu.memory_space<semaphore_mem>>
      %dma_start3A_66 = tpu.memref_slice %arg3[%add3A_4] : memref<524288xi32, #tpu.memory_space<hbm>> -> memref<4096xi32, #tpu.memory_space<hbm>>
      %dma_start3A_67 = tpu.memref_slice %arg3[%add3A_4] : memref<524288xi32, #tpu.memory_space<hbm>> -> memref<4096xi32, #tpu.memory_space<hbm>>
      tpu.enqueue_dma source(%dma_start3A_67 : memref<4096xi32, #tpu.memory_space<hbm>>) target(%arg5 : memref<4096xi32, #tpu.memory_space<vmem>>) target_semaphore(%run_scoped3A : memref<!tpu.dma_semaphore, #tpu.memory_space<semaphore_mem>>)
      %dma_wait3A_68 = tpu.memref_slice %arg3[%add3A_4] : memref<524288xi32, #tpu.memory_space<hbm>> -> memref<4096xi32, #tpu.memory_space<hbm>>
      %dma_wait3A_69 = tpu.memref_slice %arg3[%add3A_4] : memref<524288xi32, #tpu.memory_space<hbm>> -> memref<4096xi32, #tpu.memory_space<hbm>>
      tpu.wait_dma2 semaphore(%run_scoped3A : memref<!tpu.dma_semaphore, #tpu.memory_space<semaphore_mem>>) src(%dma_wait3A_69 : memref<4096xi32, #tpu.memory_space<hbm>>) dst(%arg5 : memref<4096xi32, #tpu.memory_space<vmem>>)
      tpu.yield
    }) : () -> ()
    %scan3A = arith.constant 0 : i32
    %scan3A_5 = arith.constant 0 : i32
    %scan3A_6 = arith.constant 256 : i32
    %scan3A_7 = arith.addi %scan3A_5, %scan3A_6 : i32
    %scan3A_8 = arith.constant 4 : i32
    %scan3A_9 = scf.for %scan3A_66 = %scan3A_5 to %scan3A_7 step %scan3A_8 iter_args(%scan3A_67 = %scan3A) -> (i32)  : i32 {
      %mul3A_68 = arith.constant 16 : i32
      %mul3A_69 = arith.muli %scan3A_66, %mul3A_68 : i32
      %add3A_70 = vector.broadcast %mul3A_69 : i32 to vector<16xi32>
      %add3A_71 = arith.addi %add3A_70, %iota3A : vector<16xi32>
      %and3A = arith.constant 7 : i32
      %and3A_72 = vector.broadcast %and3A : i32 to vector<16xi32>
      %and3A_73 = arith.andi %add3A_71, %and3A_72 : vector<16xi32>
      %mul3A_74 = arith.constant 16 : i32
      %mul3A_75 = arith.muli %scan3A_66, %mul3A_74 : i32
      %get3A = arith.index_cast %mul3A_75 : i32 to index
      %get3A_76 = tpu.vector_load %arg5[%get3A] {strides = array<i32>} : memref<4096xi32, #tpu.memory_space<vmem>>, vector<16xi32>,
      %get3A_77 = vector.shape_cast %get3A_76 : vector<16xi32> to vector<16xi32>
      %mul3A_78 = arith.constant 8 : i32
      %mul3A_79 = vector.broadcast %mul3A_78 : i32 to vector<16xi32>
      %mul3A_80 = arith.muli %get3A_77, %mul3A_79 : vector<16xi32>
      %add3A_81 = arith.addi %mul3A_80, %and3A_73 : vector<16xi32>
      %add3A_82 = arith.constant 0 : i32
      %add3A_83 = vector.broadcast %add3A_82 : i32 to vector<16xi32>
      %add3A_84 = arith.addi %add3A_81, %add3A_83 : vector<16xi32>
      %mul3A_85 = arith.constant 16 : i32
      %mul3A_86 = arith.muli %scan3A_66, %mul3A_85 : i32
      %swap3A = arith.index_cast %mul3A_86 : i32 to index
      %swap3A_87 = tpu.vector_load %arg5[%swap3A] {strides = array<i32>} : memref<4096xi32, #tpu.memory_space<vmem>>, vector<16xi32>,
      %swap3A_88 = vector.shape_cast %swap3A_87 : vector<16xi32> to vector<16xi32>
      %swap3A_89 = vector.shape_cast %add3A_84 : vector<16xi32> to vector<16xi32>
      tpu.vector_store %arg5[%swap3A], %swap3A_89 {strides = array<i32>} : memref<4096xi32, #tpu.memory_space<vmem>>, vector<16xi32>,
      %scan3A_90 = arith.constant 0 : i32
      %scan3A_91 = arith.constant 1 : i32
      %scan3A_92 = arith.addi %scan3A_66, %scan3A_91 : i32
      %mul3A_93 = arith.constant 16 : i32
      %mul3A_94 = arith.muli %scan3A_92, %mul3A_93 : i32
      %add3A_95 = vector.broadcast %mul3A_94 : i32 to vector<16xi32>
      %add3A_96 = arith.addi %add3A_95, %iota3A : vector<16xi32>
      %and3A_97 = arith.constant 7 : i32
      %and3A_98 = vector.broadcast %and3A_97 : i32 to vector<16xi32>
      %and3A_99 = arith.andi %add3A_96, %and3A_98 : vector<16xi32>
      %mul3A_100 = arith.constant 16 : i32
      %mul3A_101 = arith.muli %scan3A_92, %mul3A_100 : i32
      %get3A_102 = arith.index_cast %mul3A_101 : i32 to index
      %get3A_103 = tpu.vector_load %arg5[%get3A_102] {strides = array<i32>} : memref<4096xi32, #tpu.memory_space<vmem>>, vector<16xi32>,
      %get3A_104 = vector.shape_cast %get3A_103 : vector<16xi32> to vector<16xi32>
      %mul3A_105 = arith.constant 8 : i32
      %mul3A_106 = vector.broadcast %mul3A_105 : i32 to vector<16xi32>
      %mul3A_107 = arith.muli %get3A_104, %mul3A_106 : vector<16xi32>
      %add3A_108 = arith.addi %mul3A_107, %and3A_99 : vector<16xi32>
      %add3A_109 = arith.constant 0 : i32
      %add3A_110 = vector.broadcast %add3A_109 : i32 to vector<16xi32>
      %add3A_111 = arith.addi %add3A_108, %add3A_110 : vector<16xi32>
      %mul3A_112 = arith.constant 16 : i32
      %mul3A_113 = arith.muli %scan3A_92, %mul3A_112 : i32
      %swap3A_114 = arith.index_cast %mul3A_113 : i32 to index
      %swap3A_115 = tpu.vector_load %arg5[%swap3A_114] {strides = array<i32>} : memref<4096xi32, #tpu.memory_space<vmem>>, vector<16xi32>,
      %swap3A_116 = vector.shape_cast %swap3A_115 : vector<16xi32> to vector<16xi32>
      %swap3A_117 = vector.shape_cast %add3A_111 : vector<16xi32> to vector<16xi32>
      tpu.vector_store %arg5[%swap3A_114], %swap3A_117 {strides = array<i32>} : memref<4096xi32, #tpu.memory_space<vmem>>, vector<16xi32>,
      %scan3A_118 = arith.constant 0 : i32
      %scan3A_119 = arith.constant 2 : i32
      %scan3A_120 = arith.addi %scan3A_66, %scan3A_119 : i32
      %mul3A_121 = arith.constant 16 : i32
      %mul3A_122 = arith.muli %scan3A_120, %mul3A_121 : i32
      %add3A_123 = vector.broadcast %mul3A_122 : i32 to vector<16xi32>
      %add3A_124 = arith.addi %add3A_123, %iota3A : vector<16xi32>
      %and3A_125 = arith.constant 7 : i32
      %and3A_126 = vector.broadcast %and3A_125 : i32 to vector<16xi32>
      %and3A_127 = arith.andi %add3A_124, %and3A_126 : vector<16xi32>
      %mul3A_128 = arith.constant 16 : i32
      %mul3A_129 = arith.muli %scan3A_120, %mul3A_128 : i32
      %get3A_130 = arith.index_cast %mul3A_129 : i32 to index
      %get3A_131 = tpu.vector_load %arg5[%get3A_130] {strides = array<i32>} : memref<4096xi32, #tpu.memory_space<vmem>>, vector<16xi32>,
      %get3A_132 = vector.shape_cast %get3A_131 : vector<16xi32> to vector<16xi32>
      %mul3A_133 = arith.constant 8 : i32
      %mul3A_134 = vector.broadcast %mul3A_133 : i32 to vector<16xi32>
      %mul3A_135 = arith.muli %get3A_132, %mul3A_134 : vector<16xi32>
      %add3A_136 = arith.addi %mul3A_135, %and3A_127 : vector<16xi32>
      %add3A_137 = arith.constant 0 : i32
      %add3A_138 = vector.broadcast %add3A_137 : i32 to vector<16xi32>
      %add3A_139 = arith.addi %add3A_136, %add3A_138 : vector<16xi32>
      %mul3A_140 = arith.constant 16 : i32
      %mul3A_141 = arith.muli %scan3A_120, %mul3A_140 : i32
      %swap3A_142 = arith.index_cast %mul3A_141 : i32 to index
      %swap3A_143 = tpu.vector_load %arg5[%swap3A_142] {strides = array<i32>} : memref<4096xi32, #tpu.memory_space<vmem>>, vector<16xi32>,
      %swap3A_144 = vector.shape_cast %swap3A_143 : vector<16xi32> to vector<16xi32>
      %swap3A_145 = vector.shape_cast %add3A_139 : vector<16xi32> to vector<16xi32>
      tpu.vector_store %arg5[%swap3A_142], %swap3A_145 {strides = array<i32>} : memref<4096xi32, #tpu.memory_space<vmem>>, vector<16xi32>,
      %scan3A_146 = arith.constant 0 : i32
      %scan3A_147 = arith.constant 3 : i32
      %scan3A_148 = arith.addi %scan3A_66, %scan3A_147 : i32
      %mul3A_149 = arith.constant 16 : i32
      %mul3A_150 = arith.muli %scan3A_148, %mul3A_149 : i32
      %add3A_151 = vector.broadcast %mul3A_150 : i32 to vector<16xi32>
      %add3A_152 = arith.addi %add3A_151, %iota3A : vector<16xi32>
      %and3A_153 = arith.constant 7 : i32
      %and3A_154 = vector.broadcast %and3A_153 : i32 to vector<16xi32>
      %and3A_155 = arith.andi %add3A_152, %and3A_154 : vector<16xi32>
      %mul3A_156 = arith.constant 16 : i32
      %mul3A_157 = arith.muli %scan3A_148, %mul3A_156 : i32
      %get3A_158 = arith.index_cast %mul3A_157 : i32 to index
      %get3A_159 = tpu.vector_load %arg5[%get3A_158] {strides = array<i32>} : memref<4096xi32, #tpu.memory_space<vmem>>, vector<16xi32>,
      %get3A_160 = vector.shape_cast %get3A_159 : vector<16xi32> to vector<16xi32>
      %mul3A_161 = arith.constant 8 : i32
      %mul3A_162 = vector.broadcast %mul3A_161 : i32 to vector<16xi32>
      %mul3A_163 = arith.muli %get3A_160, %mul3A_162 : vector<16xi32>
      %add3A_164 = arith.addi %mul3A_163, %and3A_155 : vector<16xi32>
      %add3A_165 = arith.constant 0 : i32
      %add3A_166 = vector.broadcast %add3A_165 : i32 to vector<16xi32>
      %add3A_167 = arith.addi %add3A_164, %add3A_166 : vector<16xi32>
      %mul3A_168 = arith.constant 16 : i32
      %mul3A_169 = arith.muli %scan3A_148, %mul3A_168 : i32
      %swap3A_170 = arith.index_cast %mul3A_169 : i32 to index
      %swap3A_171 = tpu.vector_load %arg5[%swap3A_170] {strides = array<i32>} : memref<4096xi32, #tpu.memory_space<vmem>>, vector<16xi32>,
      %swap3A_172 = vector.shape_cast %swap3A_171 : vector<16xi32> to vector<16xi32>
      %swap3A_173 = vector.shape_cast %add3A_167 : vector<16xi32> to vector<16xi32>
      tpu.vector_store %arg5[%swap3A_170], %swap3A_173 {strides = array<i32>} : memref<4096xi32, #tpu.memory_space<vmem>>, vector<16xi32>,
      %scan3A_174 = arith.constant 0 : i32
      scf.yield %scan3A_174 : i32
    }
    %scan3A_10 = arith.constant 256 : i32
    %dma_start3A = arith.constant 0 : i32
    %dma_start3A_11 = arith.constant 0 : i32
    %dma_start3A_12 = tpu.memref_slice %arg2[%dma_start3A, %dma_start3A_11] : memref<3200000x16xf32, #tpu.memory_space<hbm>> -> memref<3200000x16xf32, #tpu.memory_space<hbm>>
    tpu.enqueue_indirect_dma source(%dma_start3A_12 : memref<3200000x16xf32, #tpu.memory_space<hbm>>) target(%arg6 : memref<4096x16xf32, #tpu.memory_space<vmem>>) offsets(%arg5 : memref<4096xi32, #tpu.memory_space<vmem>>) semaphore(%arg7 : memref<!tpu.dma_semaphore, #tpu.memory_space<semaphore_mem>>)
    %dma_wait3A = arith.constant 0 : i32
    %dma_wait3A_13 = arith.constant 0 : i32
    %dma_wait3A_14 = tpu.memref_slice %arg2[%dma_wait3A, %dma_wait3A_13] : memref<3200000x16xf32, #tpu.memory_space<hbm>> -> memref<3200000x16xf32, #tpu.memory_space<hbm>>
    tpu.wait_indirect_dma semaphore(%arg7 : memref<!tpu.dma_semaphore, #tpu.memory_space<semaphore_mem>>) src(%dma_wait3A_14 : memref<3200000x16xf32, #tpu.memory_space<hbm>>) dst(%arg6 : memref<4096x16xf32, #tpu.memory_space<vmem>>)
    "tpu.region"() ({
      %run_scoped3A = tpu.sem_alloc : memref<!tpu.dma_semaphore, #tpu.memory_space<semaphore_mem>>
      %dma_start3A_66 = arith.constant 0 : i32
      %dma_start3A_67 = tpu.memref_slice %arg4[%add3A_4, %dma_start3A_66] : memref<524288x16xf32, #tpu.memory_space<hbm>> -> memref<4096x16xf32, #tpu.memory_space<hbm>>
      %dma_start3A_68 = arith.constant 0 : i32
      %dma_start3A_69 = tpu.memref_slice %arg4[%add3A_4, %dma_start3A_68] : memref<524288x16xf32, #tpu.memory_space<hbm>> -> memref<4096x16xf32, #tpu.memory_space<hbm>>
      tpu.enqueue_dma source(%arg6 : memref<4096x16xf32, #tpu.memory_space<vmem>>) target(%dma_start3A_69 : memref<4096x16xf32, #tpu.memory_space<hbm>>) target_semaphore(%run_scoped3A : memref<!tpu.dma_semaphore, #tpu.memory_space<semaphore_mem>>)
      %dma_wait3A_70 = arith.constant 0 : i32
      %dma_wait3A_71 = tpu.memref_slice %arg4[%add3A_4, %dma_wait3A_70] : memref<524288x16xf32, #tpu.memory_space<hbm>> -> memref<4096x16xf32, #tpu.memory_space<hbm>>
      %dma_wait3A_72 = arith.constant 0 : i32
      %dma_wait3A_73 = tpu.memref_slice %arg4[%add3A_4, %dma_wait3A_72] : memref<524288x16xf32, #tpu.memory_space<hbm>> -> memref<4096x16xf32, #tpu.memory_space<hbm>>
      tpu.wait_dma2 semaphore(%run_scoped3A : memref<!tpu.dma_semaphore, #tpu.memory_space<semaphore_mem>>) src(%arg6 : memref<4096x16xf32, #tpu.memory_space<vmem>>) dst(%dma_wait3A_73 : memref<4096x16xf32, #tpu.memory_space<hbm>>)
      tpu.yield
    }) : () -> ()
    %mul3A_15 = arith.constant 4096 : i32
    %mul3A_16 = arith.muli %add3A, %mul3A_15 : i32
    %add3A_17 = arith.constant 131072 : i32
    %add3A_18 = arith.addi %add3A_17, %mul3A_16 : i32
    "tpu.region"() ({
      %run_scoped3A = tpu.sem_alloc : memref<!tpu.dma_semaphore, #tpu.memory_space<semaphore_mem>>
      %dma_start3A_66 = tpu.memref_slice %arg3[%add3A_18] : memref<524288xi32, #tpu.memory_space<hbm>> -> memref<4096xi32, #tpu.memory_space<hbm>>
      %dma_start3A_67 = tpu.memref_slice %arg3[%add3A_18] : memref<524288xi32, #tpu.memory_space<hbm>> -> memref<4096xi32, #tpu.memory_space<hbm>>
      tpu.enqueue_dma source(%dma_start3A_67 : memref<4096xi32, #tpu.memory_space<hbm>>) target(%arg5 : memref<4096xi32, #tpu.memory_space<vmem>>) target_semaphore(%run_scoped3A : memref<!tpu.dma_semaphore, #tpu.memory_space<semaphore_mem>>)
      %dma_wait3A_68 = tpu.memref_slice %arg3[%add3A_18] : memref<524288xi32, #tpu.memory_space<hbm>> -> memref<4096xi32, #tpu.memory_space<hbm>>
      %dma_wait3A_69 = tpu.memref_slice %arg3[%add3A_18] : memref<524288xi32, #tpu.memory_space<hbm>> -> memref<4096xi32, #tpu.memory_space<hbm>>
      tpu.wait_dma2 semaphore(%run_scoped3A : memref<!tpu.dma_semaphore, #tpu.memory_space<semaphore_mem>>) src(%dma_wait3A_69 : memref<4096xi32, #tpu.memory_space<hbm>>) dst(%arg5 : memref<4096xi32, #tpu.memory_space<vmem>>)
      tpu.yield
    }) : () -> ()
    %scan3A_19 = arith.constant 0 : i32
    %scan3A_20 = arith.constant 0 : i32
    %scan3A_21 = arith.constant 256 : i32
    %scan3A_22 = arith.addi %scan3A_20, %scan3A_21 : i32
    %scan3A_23 = arith.constant 4 : i32
    %scan3A_24 = scf.for %scan3A_66 = %scan3A_20 to %scan3A_22 step %scan3A_23 iter_args(%scan3A_67 = %scan3A_19) -> (i32)  : i32 {
      %mul3A_68 = arith.constant 16 : i32
      %mul3A_69 = arith.muli %scan3A_66, %mul3A_68 : i32
      %add3A_70 = vector.broadcast %mul3A_69 : i32 to vector<16xi32>
      %add3A_71 = arith.addi %add3A_70, %iota3A : vector<16xi32>
      %and3A = arith.constant 7 : i32
      %and3A_72 = vector.broadcast %and3A : i32 to vector<16xi32>
      %and3A_73 = arith.andi %add3A_71, %and3A_72 : vector<16xi32>
      %mul3A_74 = arith.constant 16 : i32
      %mul3A_75 = arith.muli %scan3A_66, %mul3A_74 : i32
      %get3A = arith.index_cast %mul3A_75 : i32 to index
      %get3A_76 = tpu.vector_load %arg5[%get3A] {strides = array<i32>} : memref<4096xi32, #tpu.memory_space<vmem>>, vector<16xi32>,
      %get3A_77 = vector.shape_cast %get3A_76 : vector<16xi32> to vector<16xi32>
      %mul3A_78 = arith.constant 8 : i32
      %mul3A_79 = vector.broadcast %mul3A_78 : i32 to vector<16xi32>
      %mul3A_80 = arith.muli %get3A_77, %mul3A_79 : vector<16xi32>
      %add3A_81 = arith.addi %mul3A_80, %and3A_73 : vector<16xi32>
      %add3A_82 = arith.constant 800000 : i32
      %add3A_83 = vector.broadcast %add3A_82 : i32 to vector<16xi32>
      %add3A_84 = arith.addi %add3A_81, %add3A_83 : vector<16xi32>
      %mul3A_85 = arith.constant 16 : i32
      %mul3A_86 = arith.muli %scan3A_66, %mul3A_85 : i32
      %swap3A = arith.index_cast %mul3A_86 : i32 to index
      %swap3A_87 = tpu.vector_load %arg5[%swap3A] {strides = array<i32>} : memref<4096xi32, #tpu.memory_space<vmem>>, vector<16xi32>,
      %swap3A_88 = vector.shape_cast %swap3A_87 : vector<16xi32> to vector<16xi32>
      %swap3A_89 = vector.shape_cast %add3A_84 : vector<16xi32> to vector<16xi32>
      tpu.vector_store %arg5[%swap3A], %swap3A_89 {strides = array<i32>} : memref<4096xi32, #tpu.memory_space<vmem>>, vector<16xi32>,
      %scan3A_90 = arith.constant 0 : i32
      %scan3A_91 = arith.constant 1 : i32
      %scan3A_92 = arith.addi %scan3A_66, %scan3A_91 : i32
      %mul3A_93 = arith.constant 16 : i32
      %mul3A_94 = arith.muli %scan3A_92, %mul3A_93 : i32
      %add3A_95 = vector.broadcast %mul3A_94 : i32 to vector<16xi32>
      %add3A_96 = arith.addi %add3A_95, %iota3A : vector<16xi32>
      %and3A_97 = arith.constant 7 : i32
      %and3A_98 = vector.broadcast %and3A_97 : i32 to vector<16xi32>
      %and3A_99 = arith.andi %add3A_96, %and3A_98 : vector<16xi32>
      %mul3A_100 = arith.constant 16 : i32
      %mul3A_101 = arith.muli %scan3A_92, %mul3A_100 : i32
      %get3A_102 = arith.index_cast %mul3A_101 : i32 to index
      %get3A_103 = tpu.vector_load %arg5[%get3A_102] {strides = array<i32>} : memref<4096xi32, #tpu.memory_space<vmem>>, vector<16xi32>,
      %get3A_104 = vector.shape_cast %get3A_103 : vector<16xi32> to vector<16xi32>
      %mul3A_105 = arith.constant 8 : i32
      %mul3A_106 = vector.broadcast %mul3A_105 : i32 to vector<16xi32>
      %mul3A_107 = arith.muli %get3A_104, %mul3A_106 : vector<16xi32>
      %add3A_108 = arith.addi %mul3A_107, %and3A_99 : vector<16xi32>
      %add3A_109 = arith.constant 800000 : i32
      %add3A_110 = vector.broadcast %add3A_109 : i32 to vector<16xi32>
      %add3A_111 = arith.addi %add3A_108, %add3A_110 : vector<16xi32>
      %mul3A_112 = arith.constant 16 : i32
      %mul3A_113 = arith.muli %scan3A_92, %mul3A_112 : i32
      %swap3A_114 = arith.index_cast %mul3A_113 : i32 to index
      %swap3A_115 = tpu.vector_load %arg5[%swap3A_114] {strides = array<i32>} : memref<4096xi32, #tpu.memory_space<vmem>>, vector<16xi32>,
      %swap3A_116 = vector.shape_cast %swap3A_115 : vector<16xi32> to vector<16xi32>
      %swap3A_117 = vector.shape_cast %add3A_111 : vector<16xi32> to vector<16xi32>
      tpu.vector_store %arg5[%swap3A_114], %swap3A_117 {strides = array<i32>} : memref<4096xi32, #tpu.memory_space<vmem>>, vector<16xi32>,
      %scan3A_118 = arith.constant 0 : i32
      %scan3A_119 = arith.constant 2 : i32
      %scan3A_120 = arith.addi %scan3A_66, %scan3A_119 : i32
      %mul3A_121 = arith.constant 16 : i32
      %mul3A_122 = arith.muli %scan3A_120, %mul3A_121 : i32
      %add3A_123 = vector.broadcast %mul3A_122 : i32 to vector<16xi32>
      %add3A_124 = arith.addi %add3A_123, %iota3A : vector<16xi32>
      %and3A_125 = arith.constant 7 : i32
      %and3A_126 = vector.broadcast %and3A_125 : i32 to vector<16xi32>
      %and3A_127 = arith.andi %add3A_124, %and3A_126 : vector<16xi32>
      %mul3A_128 = arith.constant 16 : i32
      %mul3A_129 = arith.muli %scan3A_120, %mul3A_128 : i32
      %get3A_130 = arith.index_cast %mul3A_129 : i32 to index
      %get3A_131 = tpu.vector_load %arg5[%get3A_130] {strides = array<i32>} : memref<4096xi32, #tpu.memory_space<vmem>>, vector<16xi32>,
      %get3A_132 = vector.shape_cast %get3A_131 : vector<16xi32> to vector<16xi32>
      %mul3A_133 = arith.constant 8 : i32
      %mul3A_134 = vector.broadcast %mul3A_133 : i32 to vector<16xi32>
      %mul3A_135 = arith.muli %get3A_132, %mul3A_134 : vector<16xi32>
      %add3A_136 = arith.addi %mul3A_135, %and3A_127 : vector<16xi32>
      %add3A_137 = arith.constant 800000 : i32
      %add3A_138 = vector.broadcast %add3A_137 : i32 to vector<16xi32>
      %add3A_139 = arith.addi %add3A_136, %add3A_138 : vector<16xi32>
      %mul3A_140 = arith.constant 16 : i32
      %mul3A_141 = arith.muli %scan3A_120, %mul3A_140 : i32
      %swap3A_142 = arith.index_cast %mul3A_141 : i32 to index
      %swap3A_143 = tpu.vector_load %arg5[%swap3A_142] {strides = array<i32>} : memref<4096xi32, #tpu.memory_space<vmem>>, vector<16xi32>,
      %swap3A_144 = vector.shape_cast %swap3A_143 : vector<16xi32> to vector<16xi32>
      %swap3A_145 = vector.shape_cast %add3A_139 : vector<16xi32> to vector<16xi32>
      tpu.vector_store %arg5[%swap3A_142], %swap3A_145 {strides = array<i32>} : memref<4096xi32, #tpu.memory_space<vmem>>, vector<16xi32>,
      %scan3A_146 = arith.constant 0 : i32
      %scan3A_147 = arith.constant 3 : i32
      %scan3A_148 = arith.addi %scan3A_66, %scan3A_147 : i32
      %mul3A_149 = arith.constant 16 : i32
      %mul3A_150 = arith.muli %scan3A_148, %mul3A_149 : i32
      %add3A_151 = vector.broadcast %mul3A_150 : i32 to vector<16xi32>
      %add3A_152 = arith.addi %add3A_151, %iota3A : vector<16xi32>
      %and3A_153 = arith.constant 7 : i32
      %and3A_154 = vector.broadcast %and3A_153 : i32 to vector<16xi32>
      %and3A_155 = arith.andi %add3A_152, %and3A_154 : vector<16xi32>
      %mul3A_156 = arith.constant 16 : i32
      %mul3A_157 = arith.muli %scan3A_148, %mul3A_156 : i32
      %get3A_158 = arith.index_cast %mul3A_157 : i32 to index
      %get3A_159 = tpu.vector_load %arg5[%get3A_158] {strides = array<i32>} : memref<4096xi32, #tpu.memory_space<vmem>>, vector<16xi32>,
      %get3A_160 = vector.shape_cast %get3A_159 : vector<16xi32> to vector<16xi32>
      %mul3A_161 = arith.constant 8 : i32
      %mul3A_162 = vector.broadcast %mul3A_161 : i32 to vector<16xi32>
      %mul3A_163 = arith.muli %get3A_160, %mul3A_162 : vector<16xi32>
      %add3A_164 = arith.addi %mul3A_163, %and3A_155 : vector<16xi32>
      %add3A_165 = arith.constant 800000 : i32
      %add3A_166 = vector.broadcast %add3A_165 : i32 to vector<16xi32>
      %add3A_167 = arith.addi %add3A_164, %add3A_166 : vector<16xi32>
      %mul3A_168 = arith.constant 16 : i32
      %mul3A_169 = arith.muli %scan3A_148, %mul3A_168 : i32
      %swap3A_170 = arith.index_cast %mul3A_169 : i32 to index
      %swap3A_171 = tpu.vector_load %arg5[%swap3A_170] {strides = array<i32>} : memref<4096xi32, #tpu.memory_space<vmem>>, vector<16xi32>,
      %swap3A_172 = vector.shape_cast %swap3A_171 : vector<16xi32> to vector<16xi32>
      %swap3A_173 = vector.shape_cast %add3A_167 : vector<16xi32> to vector<16xi32>
      tpu.vector_store %arg5[%swap3A_170], %swap3A_173 {strides = array<i32>} : memref<4096xi32, #tpu.memory_space<vmem>>, vector<16xi32>,
      %scan3A_174 = arith.constant 0 : i32
      scf.yield %scan3A_174 : i32
    }
    %scan3A_25 = arith.constant 256 : i32
    %dma_start3A_26 = arith.constant 0 : i32
    %dma_start3A_27 = arith.constant 0 : i32
    %dma_start3A_28 = tpu.memref_slice %arg2[%dma_start3A_26, %dma_start3A_27] : memref<3200000x16xf32, #tpu.memory_space<hbm>> -> memref<3200000x16xf32, #tpu.memory_space<hbm>>
    tpu.enqueue_indirect_dma source(%dma_start3A_28 : memref<3200000x16xf32, #tpu.memory_space<hbm>>) target(%arg6 : memref<4096x16xf32, #tpu.memory_space<vmem>>) offsets(%arg5 : memref<4096xi32, #tpu.memory_space<vmem>>) semaphore(%arg7 : memref<!tpu.dma_semaphore, #tpu.memory_space<semaphore_mem>>)
    %dma_wait3A_29 = arith.constant 0 : i32
    %dma_wait3A_30 = arith.constant 0 : i32
    %dma_wait3A_31 = tpu.memref_slice %arg2[%dma_wait3A_29, %dma_wait3A_30] : memref<3200000x16xf32, #tpu.memory_space<hbm>> -> memref<3200000x16xf32, #tpu.memory_space<hbm>>
    tpu.wait_indirect_dma semaphore(%arg7 : memref<!tpu.dma_semaphore, #tpu.memory_space<semaphore_mem>>) src(%dma_wait3A_31 : memref<3200000x16xf32, #tpu.memory_space<hbm>>) dst(%arg6 : memref<4096x16xf32, #tpu.memory_space<vmem>>)
    "tpu.region"() ({
      %run_scoped3A = tpu.sem_alloc : memref<!tpu.dma_semaphore, #tpu.memory_space<semaphore_mem>>
      %dma_start3A_66 = arith.constant 0 : i32
      %dma_start3A_67 = tpu.memref_slice %arg4[%add3A_18, %dma_start3A_66] : memref<524288x16xf32, #tpu.memory_space<hbm>> -> memref<4096x16xf32, #tpu.memory_space<hbm>>
      %dma_start3A_68 = arith.constant 0 : i32
      %dma_start3A_69 = tpu.memref_slice %arg4[%add3A_18, %dma_start3A_68] : memref<524288x16xf32, #tpu.memory_space<hbm>> -> memref<4096x16xf32, #tpu.memory_space<hbm>>
      tpu.enqueue_dma source(%arg6 : memref<4096x16xf32, #tpu.memory_space<vmem>>) target(%dma_start3A_69 : memref<4096x16xf32, #tpu.memory_space<hbm>>) target_semaphore(%run_scoped3A : memref<!tpu.dma_semaphore, #tpu.memory_space<semaphore_mem>>)
      %dma_wait3A_70 = arith.constant 0 : i32
      %dma_wait3A_71 = tpu.memref_slice %arg4[%add3A_18, %dma_wait3A_70] : memref<524288x16xf32, #tpu.memory_space<hbm>> -> memref<4096x16xf32, #tpu.memory_space<hbm>>
      %dma_wait3A_72 = arith.constant 0 : i32
      %dma_wait3A_73 = tpu.memref_slice %arg4[%add3A_18, %dma_wait3A_72] : memref<524288x16xf32, #tpu.memory_space<hbm>> -> memref<4096x16xf32, #tpu.memory_space<hbm>>
      tpu.wait_dma2 semaphore(%run_scoped3A : memref<!tpu.dma_semaphore, #tpu.memory_space<semaphore_mem>>) src(%arg6 : memref<4096x16xf32, #tpu.memory_space<vmem>>) dst(%dma_wait3A_73 : memref<4096x16xf32, #tpu.memory_space<hbm>>)
      tpu.yield
    }) : () -> ()
    %mul3A_32 = arith.constant 4096 : i32
    %mul3A_33 = arith.muli %add3A, %mul3A_32 : i32
    %add3A_34 = arith.constant 262144 : i32
    %add3A_35 = arith.addi %add3A_34, %mul3A_33 : i32
    "tpu.region"() ({
      %run_scoped3A = tpu.sem_alloc : memref<!tpu.dma_semaphore, #tpu.memory_space<semaphore_mem>>
      %dma_start3A_66 = tpu.memref_slice %arg3[%add3A_35] : memref<524288xi32, #tpu.memory_space<hbm>> -> memref<4096xi32, #tpu.memory_space<hbm>>
      %dma_start3A_67 = tpu.memref_slice %arg3[%add3A_35] : memref<524288xi32, #tpu.memory_space<hbm>> -> memref<4096xi32, #tpu.memory_space<hbm>>
      tpu.enqueue_dma source(%dma_start3A_67 : memref<4096xi32, #tpu.memory_space<hbm>>) target(%arg5 : memref<4096xi32, #tpu.memory_space<vmem>>) target_semaphore(%run_scoped3A : memref<!tpu.dma_semaphore, #tpu.memory_space<semaphore_mem>>)
      %dma_wait3A_68 = tpu.memref_slice %arg3[%add3A_35] : memref<524288xi32, #tpu.memory_space<hbm>> -> memref<4096xi32, #tpu.memory_space<hbm>>
      %dma_wait3A_69 = tpu.memref_slice %arg3[%add3A_35] : memref<524288xi32, #tpu.memory_space<hbm>> -> memref<4096xi32, #tpu.memory_space<hbm>>
      tpu.wait_dma2 semaphore(%run_scoped3A : memref<!tpu.dma_semaphore, #tpu.memory_space<semaphore_mem>>) src(%dma_wait3A_69 : memref<4096xi32, #tpu.memory_space<hbm>>) dst(%arg5 : memref<4096xi32, #tpu.memory_space<vmem>>)
      tpu.yield
    }) : () -> ()
    %scan3A_36 = arith.constant 0 : i32
    %scan3A_37 = arith.constant 0 : i32
    %scan3A_38 = arith.constant 256 : i32
    %scan3A_39 = arith.addi %scan3A_37, %scan3A_38 : i32
    %scan3A_40 = arith.constant 4 : i32
    %scan3A_41 = scf.for %scan3A_66 = %scan3A_37 to %scan3A_39 step %scan3A_40 iter_args(%scan3A_67 = %scan3A_36) -> (i32)  : i32 {
      %mul3A_68 = arith.constant 16 : i32
      %mul3A_69 = arith.muli %scan3A_66, %mul3A_68 : i32
      %add3A_70 = vector.broadcast %mul3A_69 : i32 to vector<16xi32>
      %add3A_71 = arith.addi %add3A_70, %iota3A : vector<16xi32>
      %and3A = arith.constant 7 : i32
      %and3A_72 = vector.broadcast %and3A : i32 to vector<16xi32>
      %and3A_73 = arith.andi %add3A_71, %and3A_72 : vector<16xi32>
      %mul3A_74 = arith.constant 16 : i32
      %mul3A_75 = arith.muli %scan3A_66, %mul3A_74 : i32
      %get3A = arith.index_cast %mul3A_75 : i32 to index
      %get3A_76 = tpu.vector_load %arg5[%get3A] {strides = array<i32>} : memref<4096xi32, #tpu.memory_space<vmem>>, vector<16xi32>,
      %get3A_77 = vector.shape_cast %get3A_76 : vector<16xi32> to vector<16xi32>
      %mul3A_78 = arith.constant 8 : i32
      %mul3A_79 = vector.broadcast %mul3A_78 : i32 to vector<16xi32>
      %mul3A_80 = arith.muli %get3A_77, %mul3A_79 : vector<16xi32>
      %add3A_81 = arith.addi %mul3A_80, %and3A_73 : vector<16xi32>
      %add3A_82 = arith.constant 1600000 : i32
      %add3A_83 = vector.broadcast %add3A_82 : i32 to vector<16xi32>
      %add3A_84 = arith.addi %add3A_81, %add3A_83 : vector<16xi32>
      %mul3A_85 = arith.constant 16 : i32
      %mul3A_86 = arith.muli %scan3A_66, %mul3A_85 : i32
      %swap3A = arith.index_cast %mul3A_86 : i32 to index
      %swap3A_87 = tpu.vector_load %arg5[%swap3A] {strides = array<i32>} : memref<4096xi32, #tpu.memory_space<vmem>>, vector<16xi32>,
      %swap3A_88 = vector.shape_cast %swap3A_87 : vector<16xi32> to vector<16xi32>
      %swap3A_89 = vector.shape_cast %add3A_84 : vector<16xi32> to vector<16xi32>
      tpu.vector_store %arg5[%swap3A], %swap3A_89 {strides = array<i32>} : memref<4096xi32, #tpu.memory_space<vmem>>, vector<16xi32>,
      %scan3A_90 = arith.constant 0 : i32
      %scan3A_91 = arith.constant 1 : i32
      %scan3A_92 = arith.addi %scan3A_66, %scan3A_91 : i32
      %mul3A_93 = arith.constant 16 : i32
      %mul3A_94 = arith.muli %scan3A_92, %mul3A_93 : i32
      %add3A_95 = vector.broadcast %mul3A_94 : i32 to vector<16xi32>
      %add3A_96 = arith.addi %add3A_95, %iota3A : vector<16xi32>
      %and3A_97 = arith.constant 7 : i32
      %and3A_98 = vector.broadcast %and3A_97 : i32 to vector<16xi32>
      %and3A_99 = arith.andi %add3A_96, %and3A_98 : vector<16xi32>
      %mul3A_100 = arith.constant 16 : i32
      %mul3A_101 = arith.muli %scan3A_92, %mul3A_100 : i32
      %get3A_102 = arith.index_cast %mul3A_101 : i32 to index
      %get3A_103 = tpu.vector_load %arg5[%get3A_102] {strides = array<i32>} : memref<4096xi32, #tpu.memory_space<vmem>>, vector<16xi32>,
      %get3A_104 = vector.shape_cast %get3A_103 : vector<16xi32> to vector<16xi32>
      %mul3A_105 = arith.constant 8 : i32
      %mul3A_106 = vector.broadcast %mul3A_105 : i32 to vector<16xi32>
      %mul3A_107 = arith.muli %get3A_104, %mul3A_106 : vector<16xi32>
      %add3A_108 = arith.addi %mul3A_107, %and3A_99 : vector<16xi32>
      %add3A_109 = arith.constant 1600000 : i32
      %add3A_110 = vector.broadcast %add3A_109 : i32 to vector<16xi32>
      %add3A_111 = arith.addi %add3A_108, %add3A_110 : vector<16xi32>
      %mul3A_112 = arith.constant 16 : i32
      %mul3A_113 = arith.muli %scan3A_92, %mul3A_112 : i32
      %swap3A_114 = arith.index_cast %mul3A_113 : i32 to index
      %swap3A_115 = tpu.vector_load %arg5[%swap3A_114] {strides = array<i32>} : memref<4096xi32, #tpu.memory_space<vmem>>, vector<16xi32>,
      %swap3A_116 = vector.shape_cast %swap3A_115 : vector<16xi32> to vector<16xi32>
      %swap3A_117 = vector.shape_cast %add3A_111 : vector<16xi32> to vector<16xi32>
      tpu.vector_store %arg5[%swap3A_114], %swap3A_117 {strides = array<i32>} : memref<4096xi32, #tpu.memory_space<vmem>>, vector<16xi32>,
      %scan3A_118 = arith.constant 0 : i32
      %scan3A_119 = arith.constant 2 : i32
      %scan3A_120 = arith.addi %scan3A_66, %scan3A_119 : i32
      %mul3A_121 = arith.constant 16 : i32
      %mul3A_122 = arith.muli %scan3A_120, %mul3A_121 : i32
      %add3A_123 = vector.broadcast %mul3A_122 : i32 to vector<16xi32>
      %add3A_124 = arith.addi %add3A_123, %iota3A : vector<16xi32>
      %and3A_125 = arith.constant 7 : i32
      %and3A_126 = vector.broadcast %and3A_125 : i32 to vector<16xi32>
      %and3A_127 = arith.andi %add3A_124, %and3A_126 : vector<16xi32>
      %mul3A_128 = arith.constant 16 : i32
      %mul3A_129 = arith.muli %scan3A_120, %mul3A_128 : i32
      %get3A_130 = arith.index_cast %mul3A_129 : i32 to index
      %get3A_131 = tpu.vector_load %arg5[%get3A_130] {strides = array<i32>} : memref<4096xi32, #tpu.memory_space<vmem>>, vector<16xi32>,
      %get3A_132 = vector.shape_cast %get3A_131 : vector<16xi32> to vector<16xi32>
      %mul3A_133 = arith.constant 8 : i32
      %mul3A_134 = vector.broadcast %mul3A_133 : i32 to vector<16xi32>
      %mul3A_135 = arith.muli %get3A_132, %mul3A_134 : vector<16xi32>
      %add3A_136 = arith.addi %mul3A_135, %and3A_127 : vector<16xi32>
      %add3A_137 = arith.constant 1600000 : i32
      %add3A_138 = vector.broadcast %add3A_137 : i32 to vector<16xi32>
      %add3A_139 = arith.addi %add3A_136, %add3A_138 : vector<16xi32>
      %mul3A_140 = arith.constant 16 : i32
      %mul3A_141 = arith.muli %scan3A_120, %mul3A_140 : i32
      %swap3A_142 = arith.index_cast %mul3A_141 : i32 to index
      %swap3A_143 = tpu.vector_load %arg5[%swap3A_142] {strides = array<i32>} : memref<4096xi32, #tpu.memory_space<vmem>>, vector<16xi32>,
      %swap3A_144 = vector.shape_cast %swap3A_143 : vector<16xi32> to vector<16xi32>
      %swap3A_145 = vector.shape_cast %add3A_139 : vector<16xi32> to vector<16xi32>
      tpu.vector_store %arg5[%swap3A_142], %swap3A_145 {strides = array<i32>} : memref<4096xi32, #tpu.memory_space<vmem>>, vector<16xi32>,
      %scan3A_146 = arith.constant 0 : i32
      %scan3A_147 = arith.constant 3 : i32
      %scan3A_148 = arith.addi %scan3A_66, %scan3A_147 : i32
      %mul3A_149 = arith.constant 16 : i32
      %mul3A_150 = arith.muli %scan3A_148, %mul3A_149 : i32
      %add3A_151 = vector.broadcast %mul3A_150 : i32 to vector<16xi32>
      %add3A_152 = arith.addi %add3A_151, %iota3A : vector<16xi32>
      %and3A_153 = arith.constant 7 : i32
      %and3A_154 = vector.broadcast %and3A_153 : i32 to vector<16xi32>
      %and3A_155 = arith.andi %add3A_152, %and3A_154 : vector<16xi32>
      %mul3A_156 = arith.constant 16 : i32
      %mul3A_157 = arith.muli %scan3A_148, %mul3A_156 : i32
      %get3A_158 = arith.index_cast %mul3A_157 : i32 to index
      %get3A_159 = tpu.vector_load %arg5[%get3A_158] {strides = array<i32>} : memref<4096xi32, #tpu.memory_space<vmem>>, vector<16xi32>,
      %get3A_160 = vector.shape_cast %get3A_159 : vector<16xi32> to vector<16xi32>
      %mul3A_161 = arith.constant 8 : i32
      %mul3A_162 = vector.broadcast %mul3A_161 : i32 to vector<16xi32>
      %mul3A_163 = arith.muli %get3A_160, %mul3A_162 : vector<16xi32>
      %add3A_164 = arith.addi %mul3A_163, %and3A_155 : vector<16xi32>
      %add3A_165 = arith.constant 1600000 : i32
      %add3A_166 = vector.broadcast %add3A_165 : i32 to vector<16xi32>
      %add3A_167 = arith.addi %add3A_164, %add3A_166 : vector<16xi32>
      %mul3A_168 = arith.constant 16 : i32
      %mul3A_169 = arith.muli %scan3A_148, %mul3A_168 : i32
      %swap3A_170 = arith.index_cast %mul3A_169 : i32 to index
      %swap3A_171 = tpu.vector_load %arg5[%swap3A_170] {strides = array<i32>} : memref<4096xi32, #tpu.memory_space<vmem>>, vector<16xi32>,
      %swap3A_172 = vector.shape_cast %swap3A_171 : vector<16xi32> to vector<16xi32>
      %swap3A_173 = vector.shape_cast %add3A_167 : vector<16xi32> to vector<16xi32>
      tpu.vector_store %arg5[%swap3A_170], %swap3A_173 {strides = array<i32>} : memref<4096xi32, #tpu.memory_space<vmem>>, vector<16xi32>,
      %scan3A_174 = arith.constant 0 : i32
      scf.yield %scan3A_174 : i32
    }
    %scan3A_42 = arith.constant 256 : i32
    %dma_start3A_43 = arith.constant 0 : i32
    %dma_start3A_44 = arith.constant 0 : i32
    %dma_start3A_45 = tpu.memref_slice %arg2[%dma_start3A_43, %dma_start3A_44] : memref<3200000x16xf32, #tpu.memory_space<hbm>> -> memref<3200000x16xf32, #tpu.memory_space<hbm>>
    tpu.enqueue_indirect_dma source(%dma_start3A_45 : memref<3200000x16xf32, #tpu.memory_space<hbm>>) target(%arg6 : memref<4096x16xf32, #tpu.memory_space<vmem>>) offsets(%arg5 : memref<4096xi32, #tpu.memory_space<vmem>>) semaphore(%arg7 : memref<!tpu.dma_semaphore, #tpu.memory_space<semaphore_mem>>)
    %dma_wait3A_46 = arith.constant 0 : i32
    %dma_wait3A_47 = arith.constant 0 : i32
    %dma_wait3A_48 = tpu.memref_slice %arg2[%dma_wait3A_46, %dma_wait3A_47] : memref<3200000x16xf32, #tpu.memory_space<hbm>> -> memref<3200000x16xf32, #tpu.memory_space<hbm>>
    tpu.wait_indirect_dma semaphore(%arg7 : memref<!tpu.dma_semaphore, #tpu.memory_space<semaphore_mem>>) src(%dma_wait3A_48 : memref<3200000x16xf32, #tpu.memory_space<hbm>>) dst(%arg6 : memref<4096x16xf32, #tpu.memory_space<vmem>>)
    "tpu.region"() ({
      %run_scoped3A = tpu.sem_alloc : memref<!tpu.dma_semaphore, #tpu.memory_space<semaphore_mem>>
      %dma_start3A_66 = arith.constant 0 : i32
      %dma_start3A_67 = tpu.memref_slice %arg4[%add3A_35, %dma_start3A_66] : memref<524288x16xf32, #tpu.memory_space<hbm>> -> memref<4096x16xf32, #tpu.memory_space<hbm>>
      %dma_start3A_68 = arith.constant 0 : i32
      %dma_start3A_69 = tpu.memref_slice %arg4[%add3A_35, %dma_start3A_68] : memref<524288x16xf32, #tpu.memory_space<hbm>> -> memref<4096x16xf32, #tpu.memory_space<hbm>>
      tpu.enqueue_dma source(%arg6 : memref<4096x16xf32, #tpu.memory_space<vmem>>) target(%dma_start3A_69 : memref<4096x16xf32, #tpu.memory_space<hbm>>) target_semaphore(%run_scoped3A : memref<!tpu.dma_semaphore, #tpu.memory_space<semaphore_mem>>)
      %dma_wait3A_70 = arith.constant 0 : i32
      %dma_wait3A_71 = tpu.memref_slice %arg4[%add3A_35, %dma_wait3A_70] : memref<524288x16xf32, #tpu.memory_space<hbm>> -> memref<4096x16xf32, #tpu.memory_space<hbm>>
      %dma_wait3A_72 = arith.constant 0 : i32
      %dma_wait3A_73 = tpu.memref_slice %arg4[%add3A_35, %dma_wait3A_72] : memref<524288x16xf32, #tpu.memory_space<hbm>> -> memref<4096x16xf32, #tpu.memory_space<hbm>>
      tpu.wait_dma2 semaphore(%run_scoped3A : memref<!tpu.dma_semaphore, #tpu.memory_space<semaphore_mem>>) src(%arg6 : memref<4096x16xf32, #tpu.memory_space<vmem>>) dst(%dma_wait3A_73 : memref<4096x16xf32, #tpu.memory_space<hbm>>)
      tpu.yield
    }) : () -> ()
    %mul3A_49 = arith.constant 4096 : i32
    %mul3A_50 = arith.muli %add3A, %mul3A_49 : i32
    %add3A_51 = arith.constant 393216 : i32
    %add3A_52 = arith.addi %add3A_51, %mul3A_50 : i32
    "tpu.region"() ({
      %run_scoped3A = tpu.sem_alloc : memref<!tpu.dma_semaphore, #tpu.memory_space<semaphore_mem>>
      %dma_start3A_66 = tpu.memref_slice %arg3[%add3A_52] : memref<524288xi32, #tpu.memory_space<hbm>> -> memref<4096xi32, #tpu.memory_space<hbm>>
      %dma_start3A_67 = tpu.memref_slice %arg3[%add3A_52] : memref<524288xi32, #tpu.memory_space<hbm>> -> memref<4096xi32, #tpu.memory_space<hbm>>
      tpu.enqueue_dma source(%dma_start3A_67 : memref<4096xi32, #tpu.memory_space<hbm>>) target(%arg5 : memref<4096xi32, #tpu.memory_space<vmem>>) target_semaphore(%run_scoped3A : memref<!tpu.dma_semaphore, #tpu.memory_space<semaphore_mem>>)
      %dma_wait3A_68 = tpu.memref_slice %arg3[%add3A_52] : memref<524288xi32, #tpu.memory_space<hbm>> -> memref<4096xi32, #tpu.memory_space<hbm>>
      %dma_wait3A_69 = tpu.memref_slice %arg3[%add3A_52] : memref<524288xi32, #tpu.memory_space<hbm>> -> memref<4096xi32, #tpu.memory_space<hbm>>
      tpu.wait_dma2 semaphore(%run_scoped3A : memref<!tpu.dma_semaphore, #tpu.memory_space<semaphore_mem>>) src(%dma_wait3A_69 : memref<4096xi32, #tpu.memory_space<hbm>>) dst(%arg5 : memref<4096xi32, #tpu.memory_space<vmem>>)
      tpu.yield
    }) : () -> ()
    %scan3A_53 = arith.constant 0 : i32
    %scan3A_54 = arith.constant 0 : i32
    %scan3A_55 = arith.constant 256 : i32
    %scan3A_56 = arith.addi %scan3A_54, %scan3A_55 : i32
    %scan3A_57 = arith.constant 4 : i32
    %scan3A_58 = scf.for %scan3A_66 = %scan3A_54 to %scan3A_56 step %scan3A_57 iter_args(%scan3A_67 = %scan3A_53) -> (i32)  : i32 {
      %mul3A_68 = arith.constant 16 : i32
      %mul3A_69 = arith.muli %scan3A_66, %mul3A_68 : i32
      %add3A_70 = vector.broadcast %mul3A_69 : i32 to vector<16xi32>
      %add3A_71 = arith.addi %add3A_70, %iota3A : vector<16xi32>
      %and3A = arith.constant 7 : i32
      %and3A_72 = vector.broadcast %and3A : i32 to vector<16xi32>
      %and3A_73 = arith.andi %add3A_71, %and3A_72 : vector<16xi32>
      %mul3A_74 = arith.constant 16 : i32
      %mul3A_75 = arith.muli %scan3A_66, %mul3A_74 : i32
      %get3A = arith.index_cast %mul3A_75 : i32 to index
      %get3A_76 = tpu.vector_load %arg5[%get3A] {strides = array<i32>} : memref<4096xi32, #tpu.memory_space<vmem>>, vector<16xi32>,
      %get3A_77 = vector.shape_cast %get3A_76 : vector<16xi32> to vector<16xi32>
      %mul3A_78 = arith.constant 8 : i32
      %mul3A_79 = vector.broadcast %mul3A_78 : i32 to vector<16xi32>
      %mul3A_80 = arith.muli %get3A_77, %mul3A_79 : vector<16xi32>
      %add3A_81 = arith.addi %mul3A_80, %and3A_73 : vector<16xi32>
      %add3A_82 = arith.constant 2400000 : i32
      %add3A_83 = vector.broadcast %add3A_82 : i32 to vector<16xi32>
      %add3A_84 = arith.addi %add3A_81, %add3A_83 : vector<16xi32>
      %lt3A = arith.constant 2 : i32
      %lt3A_85 = vector.broadcast %lt3A : i32 to vector<16xi32>
      %lt3A_86 = arith.cmpi slt, %and3A_73, %lt3A_85 : vector<16xi32>
      %jit3A = arith.constant 0 : i32
      %broadcast_in_dim3A = vector.broadcast %jit3A : i32 to vector<16xi32>
      %select_n3A = arith.select %lt3A_86, %add3A_84, %broadcast_in_dim3A : vector<16xi1>, vector<16xi32>
      %mul3A_87 = arith.constant 16 : i32
      %mul3A_88 = arith.muli %scan3A_66, %mul3A_87 : i32
      %swap3A = arith.index_cast %mul3A_88 : i32 to index
      %swap3A_89 = tpu.vector_load %arg5[%swap3A] {strides = array<i32>} : memref<4096xi32, #tpu.memory_space<vmem>>, vector<16xi32>,
      %swap3A_90 = vector.shape_cast %swap3A_89 : vector<16xi32> to vector<16xi32>
      %swap3A_91 = vector.shape_cast %select_n3A : vector<16xi32> to vector<16xi32>
      tpu.vector_store %arg5[%swap3A], %swap3A_91 {strides = array<i32>} : memref<4096xi32, #tpu.memory_space<vmem>>, vector<16xi32>,
      %scan3A_92 = arith.constant 0 : i32
      %scan3A_93 = arith.constant 1 : i32
      %scan3A_94 = arith.addi %scan3A_66, %scan3A_93 : i32
      %mul3A_95 = arith.constant 16 : i32
      %mul3A_96 = arith.muli %scan3A_94, %mul3A_95 : i32
      %add3A_97 = vector.broadcast %mul3A_96 : i32 to vector<16xi32>
      %add3A_98 = arith.addi %add3A_97, %iota3A : vector<16xi32>
      %and3A_99 = arith.constant 7 : i32
      %and3A_100 = vector.broadcast %and3A_99 : i32 to vector<16xi32>
      %and3A_101 = arith.andi %add3A_98, %and3A_100 : vector<16xi32>
      %mul3A_102 = arith.constant 16 : i32
      %mul3A_103 = arith.muli %scan3A_94, %mul3A_102 : i32
      %get3A_104 = arith.index_cast %mul3A_103 : i32 to index
      %get3A_105 = tpu.vector_load %arg5[%get3A_104] {strides = array<i32>} : memref<4096xi32, #tpu.memory_space<vmem>>, vector<16xi32>,
      %get3A_106 = vector.shape_cast %get3A_105 : vector<16xi32> to vector<16xi32>
      %mul3A_107 = arith.constant 8 : i32
      %mul3A_108 = vector.broadcast %mul3A_107 : i32 to vector<16xi32>
      %mul3A_109 = arith.muli %get3A_106, %mul3A_108 : vector<16xi32>
      %add3A_110 = arith.addi %mul3A_109, %and3A_101 : vector<16xi32>
      %add3A_111 = arith.constant 2400000 : i32
      %add3A_112 = vector.broadcast %add3A_111 : i32 to vector<16xi32>
      %add3A_113 = arith.addi %add3A_110, %add3A_112 : vector<16xi32>
      %lt3A_114 = arith.constant 2 : i32
      %lt3A_115 = vector.broadcast %lt3A_114 : i32 to vector<16xi32>
      %lt3A_116 = arith.cmpi slt, %and3A_101, %lt3A_115 : vector<16xi32>
      %jit3A_117 = arith.constant 0 : i32
      %broadcast_in_dim3A_118 = vector.broadcast %jit3A_117 : i32 to vector<16xi32>
      %select_n3A_119 = arith.select %lt3A_116, %add3A_113, %broadcast_in_dim3A_118 : vector<16xi1>, vector<16xi32>
      %mul3A_120 = arith.constant 16 : i32
      %mul3A_121 = arith.muli %scan3A_94, %mul3A_120 : i32
      %swap3A_122 = arith.index_cast %mul3A_121 : i32 to index
      %swap3A_123 = tpu.vector_load %arg5[%swap3A_122] {strides = array<i32>} : memref<4096xi32, #tpu.memory_space<vmem>>, vector<16xi32>,
      %swap3A_124 = vector.shape_cast %swap3A_123 : vector<16xi32> to vector<16xi32>
      %swap3A_125 = vector.shape_cast %select_n3A_119 : vector<16xi32> to vector<16xi32>
      tpu.vector_store %arg5[%swap3A_122], %swap3A_125 {strides = array<i32>} : memref<4096xi32, #tpu.memory_space<vmem>>, vector<16xi32>,
      %scan3A_126 = arith.constant 0 : i32
      %scan3A_127 = arith.constant 2 : i32
      %scan3A_128 = arith.addi %scan3A_66, %scan3A_127 : i32
      %mul3A_129 = arith.constant 16 : i32
      %mul3A_130 = arith.muli %scan3A_128, %mul3A_129 : i32
      %add3A_131 = vector.broadcast %mul3A_130 : i32 to vector<16xi32>
      %add3A_132 = arith.addi %add3A_131, %iota3A : vector<16xi32>
      %and3A_133 = arith.constant 7 : i32
      %and3A_134 = vector.broadcast %and3A_133 : i32 to vector<16xi32>
      %and3A_135 = arith.andi %add3A_132, %and3A_134 : vector<16xi32>
      %mul3A_136 = arith.constant 16 : i32
      %mul3A_137 = arith.muli %scan3A_128, %mul3A_136 : i32
      %get3A_138 = arith.index_cast %mul3A_137 : i32 to index
      %get3A_139 = tpu.vector_load %arg5[%get3A_138] {strides = array<i32>} : memref<4096xi32, #tpu.memory_space<vmem>>, vector<16xi32>,
      %get3A_140 = vector.shape_cast %get3A_139 : vector<16xi32> to vector<16xi32>
      %mul3A_141 = arith.constant 8 : i32
      %mul3A_142 = vector.broadcast %mul3A_141 : i32 to vector<16xi32>
      %mul3A_143 = arith.muli %get3A_140, %mul3A_142 : vector<16xi32>
      %add3A_144 = arith.addi %mul3A_143, %and3A_135 : vector<16xi32>
      %add3A_145 = arith.constant 2400000 : i32
      %add3A_146 = vector.broadcast %add3A_145 : i32 to vector<16xi32>
      %add3A_147 = arith.addi %add3A_144, %add3A_146 : vector<16xi32>
      %lt3A_148 = arith.constant 2 : i32
      %lt3A_149 = vector.broadcast %lt3A_148 : i32 to vector<16xi32>
      %lt3A_150 = arith.cmpi slt, %and3A_135, %lt3A_149 : vector<16xi32>
      %jit3A_151 = arith.constant 0 : i32
      %broadcast_in_dim3A_152 = vector.broadcast %jit3A_151 : i32 to vector<16xi32>
      %select_n3A_153 = arith.select %lt3A_150, %add3A_147, %broadcast_in_dim3A_152 : vector<16xi1>, vector<16xi32>
      %mul3A_154 = arith.constant 16 : i32
      %mul3A_155 = arith.muli %scan3A_128, %mul3A_154 : i32
      %swap3A_156 = arith.index_cast %mul3A_155 : i32 to index
      %swap3A_157 = tpu.vector_load %arg5[%swap3A_156] {strides = array<i32>} : memref<4096xi32, #tpu.memory_space<vmem>>, vector<16xi32>,
      %swap3A_158 = vector.shape_cast %swap3A_157 : vector<16xi32> to vector<16xi32>
      %swap3A_159 = vector.shape_cast %select_n3A_153 : vector<16xi32> to vector<16xi32>
      tpu.vector_store %arg5[%swap3A_156], %swap3A_159 {strides = array<i32>} : memref<4096xi32, #tpu.memory_space<vmem>>, vector<16xi32>,
      %scan3A_160 = arith.constant 0 : i32
      %scan3A_161 = arith.constant 3 : i32
      %scan3A_162 = arith.addi %scan3A_66, %scan3A_161 : i32
      %mul3A_163 = arith.constant 16 : i32
      %mul3A_164 = arith.muli %scan3A_162, %mul3A_163 : i32
      %add3A_165 = vector.broadcast %mul3A_164 : i32 to vector<16xi32>
      %add3A_166 = arith.addi %add3A_165, %iota3A : vector<16xi32>
      %and3A_167 = arith.constant 7 : i32
      %and3A_168 = vector.broadcast %and3A_167 : i32 to vector<16xi32>
      %and3A_169 = arith.andi %add3A_166, %and3A_168 : vector<16xi32>
      %mul3A_170 = arith.constant 16 : i32
      %mul3A_171 = arith.muli %scan3A_162, %mul3A_170 : i32
      %get3A_172 = arith.index_cast %mul3A_171 : i32 to index
      %get3A_173 = tpu.vector_load %arg5[%get3A_172] {strides = array<i32>} : memref<4096xi32, #tpu.memory_space<vmem>>, vector<16xi32>,
      %get3A_174 = vector.shape_cast %get3A_173 : vector<16xi32> to vector<16xi32>
      %mul3A_175 = arith.constant 8 : i32
      %mul3A_176 = vector.broadcast %mul3A_175 : i32 to vector<16xi32>
      %mul3A_177 = arith.muli %get3A_174, %mul3A_176 : vector<16xi32>
      %add3A_178 = arith.addi %mul3A_177, %and3A_169 : vector<16xi32>
      %add3A_179 = arith.constant 2400000 : i32
      %add3A_180 = vector.broadcast %add3A_179 : i32 to vector<16xi32>
      %add3A_181 = arith.addi %add3A_178, %add3A_180 : vector<16xi32>
      %lt3A_182 = arith.constant 2 : i32
      %lt3A_183 = vector.broadcast %lt3A_182 : i32 to vector<16xi32>
      %lt3A_184 = arith.cmpi slt, %and3A_169, %lt3A_183 : vector<16xi32>
      %jit3A_185 = arith.constant 0 : i32
      %broadcast_in_dim3A_186 = vector.broadcast %jit3A_185 : i32 to vector<16xi32>
      %select_n3A_187 = arith.select %lt3A_184, %add3A_181, %broadcast_in_dim3A_186 : vector<16xi1>, vector<16xi32>
      %mul3A_188 = arith.constant 16 : i32
      %mul3A_189 = arith.muli %scan3A_162, %mul3A_188 : i32
      %swap3A_190 = arith.index_cast %mul3A_189 : i32 to index
      %swap3A_191 = tpu.vector_load %arg5[%swap3A_190] {strides = array<i32>} : memref<4096xi32, #tpu.memory_space<vmem>>, vector<16xi32>,
      %swap3A_192 = vector.shape_cast %swap3A_191 : vector<16xi32> to vector<16xi32>
      %swap3A_193 = vector.shape_cast %select_n3A_187 : vector<16xi32> to vector<16xi32>
      tpu.vector_store %arg5[%swap3A_190], %swap3A_193 {strides = array<i32>} : memref<4096xi32, #tpu.memory_space<vmem>>, vector<16xi32>,
      %scan3A_194 = arith.constant 0 : i32
      scf.yield %scan3A_194 : i32
    }
    %scan3A_59 = arith.constant 256 : i32
    %dma_start3A_60 = arith.constant 0 : i32
    %dma_start3A_61 = arith.constant 0 : i32
    %dma_start3A_62 = tpu.memref_slice %arg2[%dma_start3A_60, %dma_start3A_61] : memref<3200000x16xf32, #tpu.memory_space<hbm>> -> memref<3200000x16xf32, #tpu.memory_space<hbm>>
    tpu.enqueue_indirect_dma source(%dma_start3A_62 : memref<3200000x16xf32, #tpu.memory_space<hbm>>) target(%arg6 : memref<4096x16xf32, #tpu.memory_space<vmem>>) offsets(%arg5 : memref<4096xi32, #tpu.memory_space<vmem>>) semaphore(%arg7 : memref<!tpu.dma_semaphore, #tpu.memory_space<semaphore_mem>>)
    %dma_wait3A_63 = arith.constant 0 : i32
    %dma_wait3A_64 = arith.constant 0 : i32
    %dma_wait3A_65 = tpu.memref_slice %arg2[%dma_wait3A_63, %dma_wait3A_64] : memref<3200000x16xf32, #tpu.memory_space<hbm>> -> memref<3200000x16xf32, #tpu.memory_space<hbm>>
    tpu.wait_indirect_dma semaphore(%arg7 : memref<!tpu.dma_semaphore, #tpu.memory_space<semaphore_mem>>) src(%dma_wait3A_65 : memref<3200000x16xf32, #tpu.memory_space<hbm>>) dst(%arg6 : memref<4096x16xf32, #tpu.memory_space<vmem>>)
    "tpu.region"() ({
      %run_scoped3A = tpu.sem_alloc : memref<!tpu.dma_semaphore, #tpu.memory_space<semaphore_mem>>
      %dma_start3A_66 = arith.constant 0 : i32
      %dma_start3A_67 = tpu.memref_slice %arg4[%add3A_52, %dma_start3A_66] : memref<524288x16xf32, #tpu.memory_space<hbm>> -> memref<4096x16xf32, #tpu.memory_space<hbm>>
      %dma_start3A_68 = arith.constant 0 : i32
      %dma_start3A_69 = tpu.memref_slice %arg4[%add3A_52, %dma_start3A_68] : memref<524288x16xf32, #tpu.memory_space<hbm>> -> memref<4096x16xf32, #tpu.memory_space<hbm>>
      tpu.enqueue_dma source(%arg6 : memref<4096x16xf32, #tpu.memory_space<vmem>>) target(%dma_start3A_69 : memref<4096x16xf32, #tpu.memory_space<hbm>>) target_semaphore(%run_scoped3A : memref<!tpu.dma_semaphore, #tpu.memory_space<semaphore_mem>>)
      %dma_wait3A_70 = arith.constant 0 : i32
      %dma_wait3A_71 = tpu.memref_slice %arg4[%add3A_52, %dma_wait3A_70] : memref<524288x16xf32, #tpu.memory_space<hbm>> -> memref<4096x16xf32, #tpu.memory_space<hbm>>
      %dma_wait3A_72 = arith.constant 0 : i32
      %dma_wait3A_73 = tpu.memref_slice %arg4[%add3A_52, %dma_wait3A_72] : memref<524288x16xf32, #tpu.memory_space<hbm>> -> memref<4096x16xf32, #tpu.memory_space<hbm>>
      tpu.wait_dma2 semaphore(%run_scoped3A : memref<!tpu.dma_semaphore, #tpu.memory_space<semaphore_mem>>) src(%arg6 : memref<4096x16xf32, #tpu.memory_space<vmem>>) dst(%dma_wait3A_73 : memref<4096x16xf32, #tpu.memory_space<hbm>>)
      tpu.yield
    }) : () -> ()
    return
  }
}

module attributes {stable_mosaic.version = 14 : i64} {
  func.func @_tr_body(%arg0: i32, %arg1: i32, %arg2: memref<128x2048xf32, #tpu.memory_space<vmem>>, %arg3: memref<1x2048x128xf32, #tpu.memory_space<vmem>>) attributes {dimension_semantics = [#tpu.dimension_semantics<arbitrary>, #tpu.dimension_semantics<arbitrary>], iteration_bounds = array<i64: 4, 49>, scalar_prefetch = 0 : i64, scratch_operands = 0 : i64, tpu.core_type = #tpu.core_type<tc>, window_params = [{transform_indices = @transform_0, window_bounds = array<i64: 128, 2048>}, {transform_indices = @transform_1, window_bounds = array<i64: 1, 2048, 128>}]} {
    %get3A = arith.constant 0 : index
    %get3A_0 = arith.constant 0 : index
    %get3A_1 = vector.load %arg2[%get3A, %get3A_0] : memref<128x2048xf32, #tpu.memory_space<vmem>>, vector<128x2048xf32>
    %transpose3A = tpu.transpose %get3A_1, [1, 0] : vector<128x2048xf32> -> vector<2048x128xf32>
    %swap3A = arith.constant 0 : index
    %swap3A_2 = arith.constant 0 : index
    %swap3A_3 = arith.constant 0 : index
    %swap3A_4 = vector.load %arg3[%swap3A, %swap3A_2, %swap3A_3] : memref<1x2048x128xf32, #tpu.memory_space<vmem>>, vector<1x2048x128xf32>
    %swap3A_5 = vector.shape_cast %swap3A_4 : vector<1x2048x128xf32> to vector<2048x128xf32>
    %swap3A_6 = vector.shape_cast %transpose3A : vector<2048x128xf32> to vector<1x2048x128xf32>
    tpu.vector_store %arg3[%swap3A, %swap3A_2, %swap3A_3], %swap3A_6 {strides = array<i32>} : memref<1x2048x128xf32, #tpu.memory_space<vmem>>, vector<1x2048x128xf32>,
    return
  }
  func.func @transform_0(%arg0: i32, %arg1: i32) -> (i32, i32) {
    %c0_i32 = arith.constant 0 : i32
    return %arg0, %arg1 : i32, i32
  }
  func.func @transform_1(%arg0: i32, %arg1: i32) -> (i32, i32, i32) {
    %c0_i32 = arith.constant 0 : i32
    %c0_i32_0 = arith.constant 0 : i32
    return %arg0, %arg1, %c0_i32 : i32, i32, i32
  }
}

module attributes {stable_mosaic.version = 14 : i64} {
  func.func @_mlp_body(%arg0: i32, %arg1: memref<4x1024x128xf32, #tpu.memory_space<vmem>>, %arg2: memref<1024x16xf32, #tpu.memory_space<vmem>>, %arg3: memref<128x256xf32, #tpu.memory_space<vmem>>, %arg4: memref<128x256xf32, #tpu.memory_space<vmem>>, %arg5: memref<128x256xf32, #tpu.memory_space<vmem>>, %arg6: memref<128x256xf32, #tpu.memory_space<vmem>>, %arg7: memref<16x256xf32, #tpu.memory_space<vmem>>, %arg8: memref<1x256xf32, #tpu.memory_space<vmem>>, %arg9: memref<256x128xf32, #tpu.memory_space<vmem>>, %arg10: memref<1x128xf32, #tpu.memory_space<vmem>>, %arg11: memref<128x128xf32, #tpu.memory_space<vmem>>, %arg12: memref<1x128xf32, #tpu.memory_space<vmem>>, %arg13: memref<128x128xf32, #tpu.memory_space<vmem>>, %arg14: memref<1x128xf32, #tpu.memory_space<vmem>>, %arg15: memref<1024x128xf32, #tpu.memory_space<vmem>>) attributes {dimension_semantics = [#tpu.dimension_semantics<arbitrary>], iteration_bounds = array<i64: 16>, scalar_prefetch = 0 : i64, scratch_operands = 0 : i64, tpu.core_type = #tpu.core_type<tc>, window_params = [{transform_indices = @transform_0, window_bounds = array<i64: 4, 1024, 128>}, {transform_indices = @transform_1, window_bounds = array<i64: 1024, 16>}, {pipeline_mode = #tpu.pipeline_mode<synchronous>, transform_indices = @transform_2, window_bounds = array<i64: 128, 256>}, {pipeline_mode = #tpu.pipeline_mode<synchronous>, transform_indices = @transform_3, window_bounds = array<i64: 128, 256>}, {pipeline_mode = #tpu.pipeline_mode<synchronous>, transform_indices = @transform_4, window_bounds = array<i64: 128, 256>}, {pipeline_mode = #tpu.pipeline_mode<synchronous>, transform_indices = @transform_5, window_bounds = array<i64: 128, 256>}, {pipeline_mode = #tpu.pipeline_mode<synchronous>, transform_indices = @transform_6, window_bounds = array<i64: 16, 256>}, {pipeline_mode = #tpu.pipeline_mode<synchronous>, transform_indices = @transform_7, window_bounds = array<i64: 1, 256>}, {pipeline_mode = #tpu.pipeline_mode<synchronous>, transform_indices = @transform_8, window_bounds = array<i64: 256, 128>}, {pipeline_mode = #tpu.pipeline_mode<synchronous>, transform_indices = @transform_9, window_bounds = array<i64: 1, 128>}, {pipeline_mode = #tpu.pipeline_mode<synchronous>, transform_indices = @transform_10, window_bounds = array<i64: 128, 128>}, {pipeline_mode = #tpu.pipeline_mode<synchronous>, transform_indices = @transform_11, window_bounds = array<i64: 1, 128>}, {pipeline_mode = #tpu.pipeline_mode<synchronous>, transform_indices = @transform_12, window_bounds = array<i64: 128, 128>}, {pipeline_mode = #tpu.pipeline_mode<synchronous>, transform_indices = @transform_13, window_bounds = array<i64: 1, 128>}, {transform_indices = @transform_14, window_bounds = array<i64: 1024, 128>}]} {
    %get3A = arith.constant 0 : index
    %get3A_0 = arith.constant 0 : index
    %get3A_1 = arith.constant 0 : index
    %get3A_2 = vector.load %arg1[%get3A, %get3A_0, %get3A_1] : memref<4x1024x128xf32, #tpu.memory_space<vmem>>, vector<1x1024x128xf32>
    %get3A_3 = vector.shape_cast %get3A_2 : vector<1x1024x128xf32> to vector<1024x128xf32>
    %get3A_4 = arith.constant 0 : index
    %get3A_5 = arith.constant 0 : index
    %get3A_6 = vector.load %arg3[%get3A_4, %get3A_5] : memref<128x256xf32, #tpu.memory_space<vmem>>, vector<128x256xf32>
    %dot_general3A = arith.constant dense<0.000000e+00> : vector<1024x256xf32>
    %dot_general3A_7 = tpu.matmul %get3A_3, %get3A_6, %dot_general3A {dimension_numbers = #tpu.dot_dimension_numbers<[1], [0], [0], [1], [0, 0, 1, 1], [], []>, transpose_lhs_hint = false} : vector<1024x128xf32>, vector<128x256xf32>, vector<1024x256xf32> -> vector<1024x256xf32>
    %get3A_8 = arith.constant 1 : index
    %get3A_9 = arith.constant 0 : index
    %get3A_10 = arith.constant 0 : index
    %get3A_11 = vector.load %arg1[%get3A_8, %get3A_9, %get3A_10] : memref<4x1024x128xf32, #tpu.memory_space<vmem>>, vector<1x1024x128xf32>
    %get3A_12 = vector.shape_cast %get3A_11 : vector<1x1024x128xf32> to vector<1024x128xf32>
    %get3A_13 = arith.constant 0 : index
    %get3A_14 = arith.constant 0 : index
    %get3A_15 = vector.load %arg4[%get3A_13, %get3A_14] : memref<128x256xf32, #tpu.memory_space<vmem>>, vector<128x256xf32>
    %dot_general3A_16 = arith.constant dense<0.000000e+00> : vector<1024x256xf32>
    %dot_general3A_17 = tpu.matmul %get3A_12, %get3A_15, %dot_general3A_16 {dimension_numbers = #tpu.dot_dimension_numbers<[1], [0], [0], [1], [0, 0, 1, 1], [], []>, transpose_lhs_hint = false} : vector<1024x128xf32>, vector<128x256xf32>, vector<1024x256xf32> -> vector<1024x256xf32>
    %add3A = arith.addf %dot_general3A_7, %dot_general3A_17 : vector<1024x256xf32>
    %get3A_18 = arith.constant 2 : index
    %get3A_19 = arith.constant 0 : index
    %get3A_20 = arith.constant 0 : index
    %get3A_21 = vector.load %arg1[%get3A_18, %get3A_19, %get3A_20] : memref<4x1024x128xf32, #tpu.memory_space<vmem>>, vector<1x1024x128xf32>
    %get3A_22 = vector.shape_cast %get3A_21 : vector<1x1024x128xf32> to vector<1024x128xf32>
    %get3A_23 = arith.constant 0 : index
    %get3A_24 = arith.constant 0 : index
    %get3A_25 = vector.load %arg5[%get3A_23, %get3A_24] : memref<128x256xf32, #tpu.memory_space<vmem>>, vector<128x256xf32>
    %dot_general3A_26 = arith.constant dense<0.000000e+00> : vector<1024x256xf32>
    %dot_general3A_27 = tpu.matmul %get3A_22, %get3A_25, %dot_general3A_26 {dimension_numbers = #tpu.dot_dimension_numbers<[1], [0], [0], [1], [0, 0, 1, 1], [], []>, transpose_lhs_hint = false} : vector<1024x128xf32>, vector<128x256xf32>, vector<1024x256xf32> -> vector<1024x256xf32>
    %add3A_28 = arith.addf %add3A, %dot_general3A_27 : vector<1024x256xf32>
    %get3A_29 = arith.constant 3 : index
    %get3A_30 = arith.constant 0 : index
    %get3A_31 = arith.constant 0 : index
    %get3A_32 = vector.load %arg1[%get3A_29, %get3A_30, %get3A_31] : memref<4x1024x128xf32, #tpu.memory_space<vmem>>, vector<1x1024x128xf32>
    %get3A_33 = vector.shape_cast %get3A_32 : vector<1x1024x128xf32> to vector<1024x128xf32>
    %get3A_34 = arith.constant 0 : index
    %get3A_35 = arith.constant 0 : index
    %get3A_36 = vector.load %arg6[%get3A_34, %get3A_35] : memref<128x256xf32, #tpu.memory_space<vmem>>, vector<128x256xf32>
    %dot_general3A_37 = arith.constant dense<0.000000e+00> : vector<1024x256xf32>
    %dot_general3A_38 = tpu.matmul %get3A_33, %get3A_36, %dot_general3A_37 {dimension_numbers = #tpu.dot_dimension_numbers<[1], [0], [0], [1], [0, 0, 1, 1], [], []>, transpose_lhs_hint = false} : vector<1024x128xf32>, vector<128x256xf32>, vector<1024x256xf32> -> vector<1024x256xf32>
    %add3A_39 = arith.addf %add3A_28, %dot_general3A_38 : vector<1024x256xf32>
    %get3A_40 = arith.constant 0 : index
    %get3A_41 = arith.constant 0 : index
    %get3A_42 = vector.load %arg2[%get3A_40, %get3A_41] : memref<1024x16xf32, #tpu.memory_space<vmem>>, vector<1024x16xf32>
    %get3A_43 = arith.constant 0 : index
    %get3A_44 = arith.constant 0 : index
    %get3A_45 = vector.load %arg7[%get3A_43, %get3A_44] : memref<16x256xf32, #tpu.memory_space<vmem>>, vector<16x256xf32>
    %dot_general3A_46 = arith.constant dense<0.000000e+00> : vector<1024x256xf32>
    %dot_general3A_47 = tpu.matmul %get3A_42, %get3A_45, %dot_general3A_46 {dimension_numbers = #tpu.dot_dimension_numbers<[1], [0], [0], [1], [0, 0, 1, 1], [], []>, transpose_lhs_hint = false} : vector<1024x16xf32>, vector<16x256xf32>, vector<1024x256xf32> -> vector<1024x256xf32>
    %add3A_48 = arith.addf %add3A_39, %dot_general3A_47 : vector<1024x256xf32>
    %get3A_49 = arith.constant 0 : index
    %get3A_50 = arith.constant 0 : index
    %get3A_51 = vector.load %arg8[%get3A_49, %get3A_50] : memref<1x256xf32, #tpu.memory_space<vmem>>, vector<1x256xf32>
    %add3A_52 = vector.broadcast %get3A_51 : vector<1x256xf32> to vector<1024x256xf32>
    %add3A_53 = arith.addf %add3A_48, %add3A_52 : vector<1024x256xf32>
    %max3A = arith.constant 0.000000e+00 : f32
    %max3A_54 = vector.broadcast %max3A : f32 to vector<1024x256xf32>
    %max3A_55 = arith.maximumf %add3A_53, %max3A_54 : vector<1024x256xf32>
    %get3A_56 = arith.constant 0 : index
    %get3A_57 = arith.constant 0 : index
    %get3A_58 = vector.load %arg9[%get3A_56, %get3A_57] : memref<256x128xf32, #tpu.memory_space<vmem>>, vector<256x128xf32>
    %dot_general3A_59 = arith.constant dense<0.000000e+00> : vector<1024x128xf32>
    %dot_general3A_60 = tpu.matmul %max3A_55, %get3A_58, %dot_general3A_59 {dimension_numbers = #tpu.dot_dimension_numbers<[1], [0], [0], [1], [0, 0, 1, 1], [], []>, transpose_lhs_hint = false} : vector<1024x256xf32>, vector<256x128xf32>, vector<1024x128xf32> -> vector<1024x128xf32>
    %get3A_61 = arith.constant 0 : index
    %get3A_62 = arith.constant 0 : index
    %get3A_63 = vector.load %arg10[%get3A_61, %get3A_62] : memref<1x128xf32, #tpu.memory_space<vmem>>, vector<1x128xf32>
    %add3A_64 = vector.broadcast %get3A_63 : vector<1x128xf32> to vector<1024x128xf32>
    %add3A_65 = arith.addf %dot_general3A_60, %add3A_64 : vector<1024x128xf32>
    %max3A_66 = arith.constant 0.000000e+00 : f32
    %max3A_67 = vector.broadcast %max3A_66 : f32 to vector<1024x128xf32>
    %max3A_68 = arith.maximumf %add3A_65, %max3A_67 : vector<1024x128xf32>
    %get3A_69 = arith.constant 0 : index
    %get3A_70 = arith.constant 0 : index
    %get3A_71 = vector.load %arg11[%get3A_69, %get3A_70] : memref<128x128xf32, #tpu.memory_space<vmem>>, vector<128x128xf32>
    %dot_general3A_72 = arith.constant dense<0.000000e+00> : vector<1024x128xf32>
    %dot_general3A_73 = tpu.matmul %max3A_68, %get3A_71, %dot_general3A_72 {dimension_numbers = #tpu.dot_dimension_numbers<[1], [0], [0], [1], [0, 0, 1, 1], [], []>, transpose_lhs_hint = false} : vector<1024x128xf32>, vector<128x128xf32>, vector<1024x128xf32> -> vector<1024x128xf32>
    %get3A_74 = arith.constant 0 : index
    %get3A_75 = arith.constant 0 : index
    %get3A_76 = vector.load %arg12[%get3A_74, %get3A_75] : memref<1x128xf32, #tpu.memory_space<vmem>>, vector<1x128xf32>
    %add3A_77 = vector.broadcast %get3A_76 : vector<1x128xf32> to vector<1024x128xf32>
    %add3A_78 = arith.addf %dot_general3A_73, %add3A_77 : vector<1024x128xf32>
    %max3A_79 = arith.constant 0.000000e+00 : f32
    %max3A_80 = vector.broadcast %max3A_79 : f32 to vector<1024x128xf32>
    %max3A_81 = arith.maximumf %add3A_78, %max3A_80 : vector<1024x128xf32>
    %get3A_82 = arith.constant 0 : index
    %get3A_83 = arith.constant 0 : index
    %get3A_84 = vector.load %arg13[%get3A_82, %get3A_83] : memref<128x128xf32, #tpu.memory_space<vmem>>, vector<128x128xf32>
    %dot_general3A_85 = arith.constant dense<0.000000e+00> : vector<1024x128xf32>
    %dot_general3A_86 = tpu.matmul %max3A_81, %get3A_84, %dot_general3A_85 {dimension_numbers = #tpu.dot_dimension_numbers<[1], [0], [0], [1], [0, 0, 1, 1], [], []>, transpose_lhs_hint = false} : vector<1024x128xf32>, vector<128x128xf32>, vector<1024x128xf32> -> vector<1024x128xf32>
    %get3A_87 = arith.constant 0 : index
    %get3A_88 = arith.constant 0 : index
    %get3A_89 = vector.load %arg14[%get3A_87, %get3A_88] : memref<1x128xf32, #tpu.memory_space<vmem>>, vector<1x128xf32>
    %add3A_90 = vector.broadcast %get3A_89 : vector<1x128xf32> to vector<1024x128xf32>
    %add3A_91 = arith.addf %dot_general3A_86, %add3A_90 : vector<1024x128xf32>
    %swap3A = arith.constant 0 : index
    %swap3A_92 = arith.constant 0 : index
    %swap3A_93 = vector.load %arg15[%swap3A, %swap3A_92] : memref<1024x128xf32, #tpu.memory_space<vmem>>, vector<1024x128xf32>
    tpu.vector_store %arg15[%swap3A, %swap3A_92], %add3A_91 {strides = array<i32>} : memref<1024x128xf32, #tpu.memory_space<vmem>>, vector<1024x128xf32>,
    return
  }
  func.func @transform_0(%arg0: i32) -> (i32, i32, i32) {
    %c0_i32 = arith.constant 0 : i32
    %c0_i32_0 = arith.constant 0 : i32
    %c0_i32_1 = arith.constant 0 : i32
    return %c0_i32, %arg0, %c0_i32_0 : i32, i32, i32
  }
  func.func @transform_1(%arg0: i32) -> (i32, i32) {
    %c0_i32 = arith.constant 0 : i32
    %c0_i32_0 = arith.constant 0 : i32
    return %arg0, %c0_i32 : i32, i32
  }
  func.func @transform_2(%arg0: i32) -> (i32, i32) {
    %c0_i32 = arith.constant 0 : i32
    %c0_i32_0 = arith.constant 0 : i32
    %c0_i32_1 = arith.constant 0 : i32
    return %c0_i32, %c0_i32_0 : i32, i32
  }
  func.func @transform_3(%arg0: i32) -> (i32, i32) {
    %c0_i32 = arith.constant 0 : i32
    %c0_i32_0 = arith.constant 0 : i32
    %c0_i32_1 = arith.constant 0 : i32
    return %c0_i32, %c0_i32_0 : i32, i32
  }
  func.func @transform_4(%arg0: i32) -> (i32, i32) {
    %c0_i32 = arith.constant 0 : i32
    %c0_i32_0 = arith.constant 0 : i32
    %c0_i32_1 = arith.constant 0 : i32
    return %c0_i32, %c0_i32_0 : i32, i32
  }
  func.func @transform_5(%arg0: i32) -> (i32, i32) {
    %c0_i32 = arith.constant 0 : i32
    %c0_i32_0 = arith.constant 0 : i32
    %c0_i32_1 = arith.constant 0 : i32
    return %c0_i32, %c0_i32_0 : i32, i32
  }
  func.func @transform_6(%arg0: i32) -> (i32, i32) {
    %c0_i32 = arith.constant 0 : i32
    %c0_i32_0 = arith.constant 0 : i32
    %c0_i32_1 = arith.constant 0 : i32
    return %c0_i32, %c0_i32_0 : i32, i32
  }
  func.func @transform_7(%arg0: i32) -> (i32, i32) {
    %c0_i32 = arith.constant 0 : i32
    %c0_i32_0 = arith.constant 0 : i32
    %c0_i32_1 = arith.constant 0 : i32
    return %c0_i32, %c0_i32_0 : i32, i32
  }
  func.func @transform_8(%arg0: i32) -> (i32, i32) {
    %c0_i32 = arith.constant 0 : i32
    %c0_i32_0 = arith.constant 0 : i32
    %c0_i32_1 = arith.constant 0 : i32
    return %c0_i32, %c0_i32_0 : i32, i32
  }
  func.func @transform_9(%arg0: i32) -> (i32, i32) {
    %c0_i32 = arith.constant 0 : i32
    %c0_i32_0 = arith.constant 0 : i32
    %c0_i32_1 = arith.constant 0 : i32
    return %c0_i32, %c0_i32_0 : i32, i32
  }
  func.func @transform_10(%arg0: i32) -> (i32, i32) {
    %c0_i32 = arith.constant 0 : i32
    %c0_i32_0 = arith.constant 0 : i32
    %c0_i32_1 = arith.constant 0 : i32
    return %c0_i32, %c0_i32_0 : i32, i32
  }
  func.func @transform_11(%arg0: i32) -> (i32, i32) {
    %c0_i32 = arith.constant 0 : i32
    %c0_i32_0 = arith.constant 0 : i32
    %c0_i32_1 = arith.constant 0 : i32
    return %c0_i32, %c0_i32_0 : i32, i32
  }
  func.func @transform_12(%arg0: i32) -> (i32, i32) {
    %c0_i32 = arith.constant 0 : i32
    %c0_i32_0 = arith.constant 0 : i32
    %c0_i32_1 = arith.constant 0 : i32
    return %c0_i32, %c0_i32_0 : i32, i32
  }
  func.func @transform_13(%arg0: i32) -> (i32, i32) {
    %c0_i32 = arith.constant 0 : i32
    %c0_i32_0 = arith.constant 0 : i32
    %c0_i32_1 = arith.constant 0 : i32
    return %c0_i32, %c0_i32_0 : i32, i32
  }
  func.func @transform_14(%arg0: i32) -> (i32, i32) {
    %c0_i32 = arith.constant 0 : i32
    %c0_i32_0 = arith.constant 0 : i32
    return %arg0, %c0_i32 : i32, i32
  }
}

</mosaic_0001>

<sc_bundles>
// kernel: kernel.5.cloned.1.call-start
scs
__scs_entry_jumppad:
0x0: {  	(pc) =	sbr.rel $0x88, $3  }
0x1: {  	(tag) =	ssettag $0x0;
	lr =	simm.s32 $0x1  }
0x2: {  	[smem:$0x3F96] =	sst lr;
	_ =	strace $0xD0000000  }
0x3: {  	_ = 	snop  }
0x4: {  	_ = 	snop  }
0x5: {  	_ = 	snop  }
0x6: {  	_ = 	snop  }
0x7: {  	_ = 	snop  }
__scs_overlays_trampoline_lowered:
0x8: {  	[smem:$0x3FA5] =	sst s0  }
0x9: {  	[smem:$0x3FA6] =	sst s1  }
0xa: {  	[smem:$0x3FA7] =	sst s2  }
0xb: {  	[smem:$0x3FA8] =	sst s3  }
0xc: {  	[smem:$0x3FA9] =	sst s4  }
0xd: {  	[smem:$0x3FAA] =	sst s5  }
0xe: {  	[smem:$0x3FAB] =	sst s6  }
0xf: {  	[smem:$0x3FAC] =	sst s7  }
0x10: {  	[smem:$0x3FAD] =	sst s8  }
0x11: {  	[smem:$0x3FAE] =	sst s9;
	s0 =	simm.s32 @!p0 $0x0  }
0x12: {  	s1 =	sld [smem:$0x3F94];
	s0 =	simm.s32 @p0 $0x1  }
0x13: {  	[smem:$0x3FAF] =	sst s0;
	s0 =	simm.s32 @!p1 $0x0  }
0x14: {  	s2 =	sld [smem:$0x3F93];
	s0 =	simm.s32 @p1 $0x1  }
0x15: {  	[smem:$0x3FB0] =	sst s0;
	s0 =	simm.s32 @!p2 $0x0  }
0x16: {  	s3 =	sld [smem:$0x3FDB];
	s0 =	simm.s32 @p2 $0x1  }
0x17: {  	s4 =	simm.s32 $0x1BF5;
	[smem:$0x3FB2] =	sst s0  }
0x18: {  	s0 =	sld [smem:$0x3F95];
	_ =	swait.ge [sflag:s4], $0x0  }
0x19: {  	s7 =	sld [smem:$0x3F96]  }
0x1a: {  	s8 =	sadd.s32 $0xFFFFE003, lr  }
0x1b: {  	s9 =	sadd.s32 $0xFFFFFEF7, lr;
	s5 =	simm.s32 $0xFFFFFFFF;
	p2 =	slt.u32 s8, $0xFFFFF086  }
0x1c: {  	p1 =	slt.u32 s9, $0xF7A;
	s5 =	simm.s32 @!p2 $0x0  }
0x1d: {  	s5 =	simm.s32 @p1 $0x1;
	p0 =	seq.s32 s7, s2  }
0x1e: {  	s7 =	smul.u32 @!p0 $0xF7A, s2;
	p2 =	seq.s32 @!p0 s5, $0x0  }
0x1f: {  	s9 =	smul.u32 $0xF7A, s1;
	s8 =	simm.s32 @!p0 $0x1BF5;
	p2 =	por !p2, p0  }
0x20: {  	[sflag:s8] =	ssyncset.s32 @!p0 $0xFFFFF086;
	s6 =	sadd.s32 @!p0 s3, s7;
	s7 =	simm.s32 @!p0 $0x108  }
0x21: {  	s3 =	sadd.s32 s3, s9;
	s6 =	sadd.s32 @!p0 $0x88, s6;
	s7 =	simm.s32 @p2 $0x1082  }
0x22: {  	[simem:s7], [sflag:s8] =	dma.local @!p0 [hbm:s6], $0xF7A  }
0x23: {  	s9 =	sor.u32 $0xD0000000, s2;
	s6 =	simm.s32 $0x108;
	_ =	swait.ge @!p0 [sflag:s8], $0x0  }
0x24: {  	s3 =	sadd.s32 $0x88, s3;
	s6 =	simm.s32 @!p1 $0x1082;
	[sflag:s4] =	ssyncset.s32 $0xFFFFF086  }
0x25: {  	[simem:s6], [sflag:s4] =	dma.local [hbm:s3], $0xF7A  }
0x26: {  	[smem:$0x3F96] =	sst s1;
	(tag) =	ssettag s2;
	_ =	strace s9  }
0x27: {  	s1 =	sld [smem:$0x3FA6]  }
0x28: {  	s2 =	sld [smem:$0x3FA7]  }
0x29: {  	s4 =	sld [smem:$0x3FA9]  }
0x2a: {  	p0 =	seq.s32 s5, $0x0;
	s5 =	sld [smem:$0x3FAA]  }
0x2b: {  	s6 =	sld [smem:$0x3FAB]  }
0x2c: {  	s7 =	sld [smem:$0x3FAC]  }
0x2d: {  	s3 =	simm.s32 $0x108;
	s8 =	sld [smem:$0x3FAD]  }
0x2e: {  	s3 =	simm.s32 @!p0 $0x1082;
	s9 =	sld [smem:$0x3FAE]  }
0x2f: {  	lr =	sadd.s32 s0, s3;
	s0 =	sld [smem:$0x3FA5]  }
0x30: {  	s3 =	sld [smem:$0x3FA8]  }
0x31: {  	[smem:$0x3FB1] =	sst s10  }
0x32: {  	s10 =	sld [smem:$0x3FAF];
	_ =	sdelay $0x3  }
0x33: {  	p0 =	seq.s32 s10, $0x1;
	s10 =	sld [smem:$0x3FB1];
	_ =	sdelay $0x3  }
0x34: {  	[smem:$0x3FB1] =	sst s10  }
0x35: {  	s10 =	sld [smem:$0x3FB0];
	_ =	sdelay $0x3  }
0x36: {  	p1 =	seq.s32 s10, $0x1;
	s10 =	sld [smem:$0x3FB1];
	_ =	sdelay $0x3  }
0x37: {  	[smem:$0x3FB1] =	sst s10  }
0x38: {  	s10 =	sld [smem:$0x3FB2]  }
0x39: {  	_ = 	snop;
	(pc) =	sbr.ind lr, $3  }
0x3a: {  	_ = 	snop  }
0x3b: {  	_ = 	snop  }
0x3c: {  	p2 =	seq.s32 s10, $0x1;
	s10 =	sld [smem:$0x3FB1]  }
0x3d: {  	_ =	shalt  }
0x3e: {  	_ =	shalt  }
0x3f: {  	_ =	shalt  }
0x40: {  	_ =	shalt  }
0x41: {  	_ =	shalt  }
0x42: {  	_ =	shalt  }
0x43: {  	_ =	shalt  }
0x44: {  	_ =	shalt  }
0x45: {  	_ =	shalt  }
0x46: {  	_ =	shalt  }
0x47: {  	_ =	shalt  }
0x48: {  	_ =	shalt  }
0x49: {  	_ =	shalt  }
0x4a: {  	_ =	shalt  }
0x4b: {  	_ =	shalt  }
0x4c: {  	_ =	shalt  }
0x4d: {  	_ =	shalt  }
0x4e: {  	_ =	shalt  }
0x4f: {  	_ =	shalt  }
0x50: {  	_ =	shalt  }
0x51: {  	_ =	shalt  }
0x52: {  	_ =	shalt  }
0x53: {  	_ =	shalt  }
0x54: {  	_ =	shalt  }
0x55: {  	_ =	shalt  }
0x56: {  	_ =	shalt  }
0x57: {  	_ =	shalt  }
0x58: {  	_ =	shalt  }
0x59: {  	_ =	shalt  }
0x5a: {  	_ =	shalt  }
0x5b: {  	_ =	shalt  }
0x5c: {  	_ =	shalt  }
0x5d: {  	_ =	shalt  }
0x5e: {  	_ =	shalt  }
0x5f: {  	_ =	shalt  }
0x60: {  	_ =	shalt  }
0x61: {  	_ =	shalt  }
0x62: {  	_ =	shalt  }
0x63: {  	_ =	shalt  }
0x64: {  	_ =	shalt  }
0x65: {  	_ =	shalt  }
0x66: {  	_ =	shalt  }
0x67: {  	_ =	shalt  }
0x68: {  	_ =	shalt  }
0x69: {  	_ =	shalt  }
0x6a: {  	_ =	shalt  }
0x6b: {  	_ =	shalt  }
0x6c: {  	_ =	shalt  }
0x6d: {  	_ =	shalt  }
0x6e: {  	_ =	shalt  }
0x6f: {  	_ =	shalt  }
0x70: {  	_ =	shalt  }
0x71: {  	_ =	shalt  }
0x72: {  	_ =	shalt  }
0x73: {  	_ =	shalt  }
0x74: {  	_ =	shalt  }
0x75: {  	_ =	shalt  }
0x76: {  	_ =	shalt  }
0x77: {  	_ =	shalt  }
0x78: {  	_ =	shalt  }
0x79: {  	_ =	shalt  }
0x7a: {  	_ =	shalt  }
0x7b: {  	_ =	shalt  }
0x7c: {  	_ =	shalt  }
0x7d: {  	_ =	shalt  }
0x7e: {  	_ =	shalt  }
0x7f: {  	_ =	shalt  }
0x80: {  	_ =	shalt  }
0x81: {  	_ =	shalt  }
0x82: {  	_ =	shalt  }
0x83: {  	_ =	shalt  }
0x84: {  	_ =	shalt  }
0x85: {  	_ =	shalt  }
0x86: {  	_ =	shalt  }
0x87: {  	_ =	shalt  }
.Lfunc_end0:
.L_simem_size_0:
called_computation_lowered:
.L_overlay_start_0:
0x88: {  	s2 =	sld [smem:$0x3FD9]  }
0x89: {  	s3 =	sld [smem:$0x3FFE];
	_ =	sdelay $0x1  }
0x8a: {  	s1 =	srdreg.scid  }
0x8b: {  	s0 =	sand.u32 $0x1, s1  }
0x8c: {  	s17 =	sshll.u32 s0, $0xA;
	s2 =	sadd.s32 s3, s2  }
0x8d: {  	s2 =	sadd.s32 s2, s17  }
0x8e: {  	[smem:$0x3FBD] =	sst s2  }
0x8f: {  	_ = 	snop  }
0x90: {  	s2 =	sld [smem:$0x3FD0];
	(tm) =	ssettm $0x1  }
0x91: {  	s18 =	sld [smem:$0x3FFB];
	_ =	sdelay $0x3  }
0x92: {  	_ =	strace s18  }
0x93: {  	s3 =	sld [smem:$0x3FFC];
	_ =	sdelay $0x3  }
0x94: {  	_ =	strace s3  }
0x95: {  	s3 =	sld [smem:$0x3FFD];
	_ =	sdelay $0x3  }
0x96: {  	_ =	strace s3  }
0x97: {  	_ =	strace $0x8FFFFFFF  }
0x98: {  	s19 =	sld [smem:$0x3FDB];
	_ =	sdelay $0x1  }
0x99: {  	s4 =	simm.s32 $_scs_section_size  }
0x9a: {  	s5 =	simm.s32 $_size__tile_overlayer_lowered;
	s6 =	simm.s32 $_tile_overlayer_lowered  }
0x9b: {  	s22 =	simm.s32 $0x1BFF;
	s21 =	sshll.u32 s6, $0x1;
	s3 =	sadd.s32 s4, s19  }
0x9c: {  	s7 =	simm.s32 $0x0;
	s20 =	sshll.u32 s5, $0x1;
	s5 =	sadd.s32 s21, s3  }
0x9d: {  	[timem:s7], [sflag:s22] =	dma.local [hbm:s5], s20  }
0x9e: {  	_ =	swait.ge [sflag:s22], s20  }
0x9f: {  	s4 =	ssub.s32 $0x0, s20;
	[sflag:s22] =	ssyncset.done $0x0  }
0xa0: {  	[sflag:s22] =	ssyncadd.s32 s4;
	_ =	sdelay $0x1  }
0xa1: {  	s23 =	simm.s32 $0x1B8B  }
0xa2: {  	_ =	swait.ge [sflag:s23], $0x1  }
0xa3: {  	[sflag:s23] =	ssyncset.done $0x0  }
0xa4: {  	s25 =	simm.s32 $0x1B8E;
	s24 =	sld [smem:$0x3FFE];
	[sflag:s23] =	ssyncadd.s32 $0xFFFFFFFF  }
0xa5: {  	s26 =	simm.s32 $execute0_lowered;
	[smem:$0x3FD2] =	sst s25  }
0xa6: {  	s5 =	sshll.u32 s26, $0x1;
	_ =	strace $0x80000046;
	[dreg:$0x1] =	wrdreg $0xFFFFFFFF  }
0xa7: {  	s28 =	simm.s32 $_size_execute0_lowered;
	s3 =	sadd.s32 s3, s5;
	[dreg:$0x0] =	wrdreg $0x0  }
0xa8: {  	s5 =	sshll.u32 s28, $0x1;
	[dreg:$0x2] =	wrdreg s3  }
0xa9: {  	[dreg:$0x3] =	wrdreg s5  }
0xaa: {  	[dreg:$0x4] =	wrdreg $0xC0  }
0xab: {  	_ =	task [dreg:s7], $0x5FFFF  }
0xac: {  	[dreg:$0x1] =	wrdreg $0xFFFFFFFF  }
0xad: {  	[dreg:$0x0] =	wrdreg $0x60  }
0xae: {  	[dreg:$0x2] =	wrdreg s24  }
0xaf: {  	[dreg:$0x3] =	wrdreg s2  }
0xb0: {  	[dreg:$0x4] =	wrdreg $0x9  }
0xb1: {  	_ =	task.clear_ibuf [dreg:s7], $0x5FFFF;
	_ =	strace $0x90000046  }
0xb2: {  	s29 =	simm.s32 $0x9;
	_ =	strace $0x80000048  }
0xb3: {  	_ =	swait.ge [sflag:s29], $0x1  }
0xb4: {  	[sflag:s29] =	ssyncadd.s32 $0xFFFFFFFF  }
0xb5: {  	_ =	strace $0x90000048  }
0xb6: {  	_ =	sfence  }
0xb7: {  	s30 =	sld [smem:$0x0];
	_ =	sdelay $0x2  }
0xb8: {  	s31 =	sshll.u32 s1, $0xD;
	s1 =	sshrl.u32 s1, $0x2  }
0xb9: {  	s3 =	sand.u32 $0x4000, s31;
	s1 =	sadd.s32 s1, s30  }
0xba: {  	s0 =	sor.u32 s3, s0;
	s1 =	sshll.u32 s1, $0x11  }
0xbb: {  	s0 =	sor.u32 s1, s0  }
0xbc: {  	s0 =	sadd.s32 $0x8F2B, s0  }
0xbd: {  	[sflag:s0] =	ssyncadd.remote.s32 $0x1  }
0xbe: {  	_ =	sfence.sel $0xFFFF  }
0xbf: {  	[dreg:$0x0] =	wrdreg $0xFFFFFFFF;
	(pc) =	sbr.abs _section_cstart, $3  }
0xc0: {  	[dreg:$0x1] =	wrdreg $0xFFFFFFFF  }
0xc1: {  	_ =	task.clear_ibuf [dreg:s7], $0x2FFFF;
	_ =	strace $0x9FFFFFFF  }
0xc2: {  	(tm) =	ssettm $0x7FFFFFFF  }
0xc3: {  	_ =	shalt  }
tec
execute0_lowered:
.L_overlay_start_1:
0x0: {  	(tag) =	ssettag $0x1  }
0x1: {  	s4 =	rddreg [dreg:$0x0]  }
0x2: {  	s10 =	rddreg [dreg:$0x1]  }
0x3: {  	s0 =	rddreg [dreg:$0x2];
	s1 =	simm.s32 $0x0;
	s2 =	srdreg.scid  }
0x4: {  	s15 =	simm.s32 $0x1;
	s16 =	simm.s32 $0x0;
	[smem:$0x7FF] =	sst s1  }
0x5: {  	s5 =	sand.u32 $0x1, s2;
	s3 =	sadd.s32 $0x2200, s4;
	s2 =	stileid.u32  }
0x6: {  	s6 =	ssub.s32 $0x2, s5;
	s8 =	sshll.u32 s2, $0xD;
	s5 =	sshll.u32 s5, $0xC  }
0x7: {  	s11 =	sadd.s32 $0x61CA00, s4;
	s7 =	sshrl.u32 s6, $0x1;
	s8 =	sor.u32 s5, s8  }
0x8: {  	_ =	strace $0x80000047;
	s12 =	ssub.s32 s6, s7;
	s26 =	sshrl.u32 s8, $0x3  }
0x9: {  	s5 =	sshll.u32 s8, $0x1;
	s28 =	sor.u32 $0x20000, s8;
	s9 =	sor.u32 $0x40000, s8  }
0xa: {  	s14 =	sor.u32 $0x60000, s8;
	s4 =	sadd.s32 s10, s26;
	s5 =	sadd.s32 s11, s5  }
0xb: {  	s29 =	sshrl.u32 s28, $0x3;
	s7 =	sshll.u32 s28, $0x1;
	s13 =	sshrl.u32 s9, $0x3  }
0xc: {  	s9 =	sshll.u32 s9, $0x1;
	s30 =	sshrl.u32 s14, $0x3;
	s31 =	sshll.u32 s14, $0x1  }
0xd: {  	v0 =	vlaneseq.u32;
	vm0 =	vcmask $0x2720;
	vm1 =	vcmask $0x700;
	s12 =	smax.u32 s12, $0x1;
	s14 =	simm.s32 $0x1000;
	s6 =	sadd.s32 s10, s29  }
0xe: {  	v0 =	vand.u32 $0x7, v0;
	vm0 =	vmor vm1, vm0;
	s7 =	sadd.s32 s11, s7;
	s8 =	sadd.s32 s10, s13;
	s9 =	sadd.s32 s11, s9  }
0xf: {  	v1 =	vor.u32 $0xC3500, v0;
	v2 =	vor.u32 $0x186A00, v0;
	v3 =	vor.u32 $0x249F00, v0;
	s10 =	sadd.s32 s10, s30;
	s11 =	sadd.s32 s11, s31;
	s13 =	simm.s32 $0x2  }
.LBB2_1:
0x10: {  	[tilespmem:s1], [sflag:$0x2] =	stream.linear.gather [hbm4b:s4+s1], $0x1000, $0x38;
	[tilespmem:$0x11000] =	vst v63  }
0x11: {  	_ =	swait.ge [sflag:s13], $0x1000  }
0x12: {  	[sflag:s13] =	ssyncset.done $0x0  }
0x13: {  	s17 =	simm.s32 $0x20;
	[sflag:s13] =	ssyncadd.s32 $0xFFFFF000  }
0x14: {  	v4 =	vld [tilespmem:s17+$0xFFFFFFE0];
	_ =	sdelay $0x2  }
0x15: {  	v5 =	vld [tilespmem:s17+$0x0]  }
0x16: {  	v6 =	vld [tilespmem:s17+$0x10]  }
0x17: {  	v7 =	vshll.u32 v4, $0x3;
	v4 =	vld [tilespmem:s17+$0xFFFFFFF0];
	_ =	sdelay $0x2  }
0x18: {  	v5 =	vshll.u32 v5, $0x3;
	v7 =	vor.u32 v0, v7  }
0x19: {  	s18 =	simm.s32 $0x0;
	s19 =	simm.s32 $0x60;
	v6 =	vshll.u32 v6, $0x3;
	v5 =	vor.u32 v0, v5;
	[tilespmem:s17+$0xFFFFFFE0] =	vst v7  }
.LBB2_2:
0x1a: {  	v7 =	vld [tilespmem:s19+$0xFFFFFFE0];
	v4 =	vshll.u32 v4, $0x3;
	[tilespmem:s17+$0x0] =	vst v5;
	v5 =	vor.u32 v0, v6  }
0x1b: {  	s18 =	sadd.s32 $0x4, s18;
	v6 =	vld [tilespmem:s19+$0x0];
	v4 =	vor.u32 v0, v4;
	[tilespmem:s17+$0x10] =	vst v5  }
0x1c: {  	p0 =	slt.u32 s18, $0xFC;
	v8 =	vld [tilespmem:s19+$0x10];
	[tilespmem:s17+$0xFFFFFFF0] =	vst v4;
	s17 =	smov.u32 s19  }
.Ltmp0:
0x1d: {  	v4 =	vld [tilespmem:s19+$0xFFFFFFF0];
	(pc) =	sbr.rel @p0 .LBB2_2-.Ltmp0, $4  }
0x1e: {  	_ = 	snop  }
0x1f: {  	v5 =	vshll.u32 v7, $0x3  }
0x20: {  	v5 =	vor.u32 v0, v5;
	v6 =	vshll.u32 v6, $0x3  }
0x21: {  	s19 =	sadd.s32 $0x40, s19;
	[tilespmem:s17+$0xFFFFFFE0] =	vst v5;
	v5 =	vor.u32 v0, v6;
	v6 =	vshll.u32 v8, $0x3  }
0x22: {  	v4 =	vshll.u32 v4, $0x3;
	[tilespmem:s17+$0x0] =	vst v5;
	v5 =	vor.u32 v0, v6  }
0x23: {  	v4 =	vor.u32 v0, v4;
	[tilespmem:s17+$0x10] =	vst v5  }
0x24: {  	[tilespmem:s17+$0xFFFFFFF0] =	vst v4  }
0x25: {  	[tilespmem:s14], [sflag:$0x1] =	stream.indirect.gather [hbm4b:s3+s14], $0x10, s1, s14, $0xb8;
	[tilespmem:$0x11000] =	vst v63  }
0x26: {  	_ =	swait.ge [sflag:s15], $0x10000  }
0x27: {  	[sflag:s15] =	ssyncset.done $0x0  }
0x28: {  	[sflag:s15] =	ssyncadd.s32 $0xFFFF0000  }
0x29: {  	[hbm4b:s5+s1] =	stream.linear.scatter [tilespmem:s14], [sflag:$0x2], $0x10000, $0x38;
	[tilespmem:$0x11000] =	vst v63  }
0x2a: {  	_ =	swait.ge [sflag:s13], $0x10000  }
0x2b: {  	[sflag:s13] =	ssyncset.done $0x0  }
0x2c: {  	[sflag:s13] =	ssyncadd.s32 $0xFFFF0000  }
0x2d: {  	[tilespmem:s1], [sflag:$0x2] =	stream.linear.gather [hbm4b:s6+s1], $0x1000, $0x38;
	[tilespmem:$0x11000] =	vst v63  }
0x2e: {  	_ =	swait.ge [sflag:s13], $0x1000  }
0x2f: {  	[sflag:s13] =	ssyncset.done $0x0  }
0x30: {  	s17 =	simm.s32 $0x20;
	[sflag:s13] =	ssyncadd.s32 $0xFFFFF000  }
0x31: {  	v4 =	vld [tilespmem:s17+$0xFFFFFFE0];
	_ =	sdelay $0x2  }
0x32: {  	v5 =	vld [tilespmem:s17+$0x0]  }
0x33: {  	v6 =	vld [tilespmem:s17+$0x10]  }
0x34: {  	v7 =	vshll.u32 v4, $0x3;
	v4 =	vld [tilespmem:s17+$0xFFFFFFF0];
	_ =	sdelay $0x2  }
0x35: {  	v5 =	vshll.u32 v5, $0x3;
	v7 =	vadd.s32 v1, v7  }
0x36: {  	s18 =	simm.s32 $0x0;
	s19 =	simm.s32 $0x60;
	v6 =	vshll.u32 v6, $0x3;
	v5 =	vadd.s32 v1, v5;
	[tilespmem:s17+$0xFFFFFFE0] =	vst v7  }
.LBB2_4:
0x37: {  	v7 =	vld [tilespmem:s19+$0xFFFFFFE0];
	v4 =	vshll.u32 v4, $0x3;
	[tilespmem:s17+$0x0] =	vst v5;
	v5 =	vadd.s32 v1, v6  }
0x38: {  	s18 =	sadd.s32 $0x4, s18;
	v6 =	vld [tilespmem:s19+$0x0];
	v4 =	vadd.s32 v1, v4;
	[tilespmem:s17+$0x10] =	vst v5  }
0x39: {  	p0 =	slt.u32 s18, $0xFC;
	v8 =	vld [tilespmem:s19+$0x10];
	[tilespmem:s17+$0xFFFFFFF0] =	vst v4;
	s17 =	smov.u32 s19  }
.Ltmp1:
0x3a: {  	v4 =	vld [tilespmem:s19+$0xFFFFFFF0];
	(pc) =	sbr.rel @p0 .LBB2_4-.Ltmp1, $4  }
0x3b: {  	_ = 	snop  }
0x3c: {  	v5 =	vshll.u32 v7, $0x3  }
0x3d: {  	v5 =	vadd.s32 v1, v5;
	v6 =	vshll.u32 v6, $0x3  }
0x3e: {  	s19 =	sadd.s32 $0x40, s19;
	[tilespmem:s17+$0xFFFFFFE0] =	vst v5;
	v5 =	vadd.s32 v1, v6;
	v6 =	vshll.u32 v8, $0x3  }
0x3f: {  	v4 =	vshll.u32 v4, $0x3;
	[tilespmem:s17+$0x0] =	vst v5;
	v5 =	vadd.s32 v1, v6  }
0x40: {  	v4 =	vadd.s32 v1, v4;
	[tilespmem:s17+$0x10] =	vst v5  }
0x41: {  	[tilespmem:s17+$0xFFFFFFF0] =	vst v4  }
0x42: {  	[tilespmem:s14], [sflag:$0x1] =	stream.indirect.gather [hbm4b:s3+s14], $0x10, s1, s14, $0xb8;
	[tilespmem:$0x11000] =	vst v63  }
0x43: {  	_ =	swait.ge [sflag:s15], $0x10000  }
0x44: {  	[sflag:s15] =	ssyncset.done $0x0  }
0x45: {  	[sflag:s15] =	ssyncadd.s32 $0xFFFF0000  }
0x46: {  	[hbm4b:s7+s1] =	stream.linear.scatter [tilespmem:s14], [sflag:$0x2], $0x10000, $0x38;
	[tilespmem:$0x11000] =	vst v63  }
0x47: {  	_ =	swait.ge [sflag:s13], $0x10000  }
0x48: {  	[sflag:s13] =	ssyncset.done $0x0  }
0x49: {  	[sflag:s13] =	ssyncadd.s32 $0xFFFF0000  }
0x4a: {  	[tilespmem:s1], [sflag:$0x2] =	stream.linear.gather [hbm4b:s8+s1], $0x1000, $0x38;
	[tilespmem:$0x11000] =	vst v63  }
0x4b: {  	_ =	swait.ge [sflag:s13], $0x1000  }
0x4c: {  	[sflag:s13] =	ssyncset.done $0x0  }
0x4d: {  	s17 =	simm.s32 $0x20;
	[sflag:s13] =	ssyncadd.s32 $0xFFFFF000  }
0x4e: {  	v4 =	vld [tilespmem:s17+$0xFFFFFFE0];
	_ =	sdelay $0x2  }
0x4f: {  	v5 =	vld [tilespmem:s17+$0x0]  }
0x50: {  	v6 =	vld [tilespmem:s17+$0x10]  }
0x51: {  	v7 =	vshll.u32 v4, $0x3;
	v4 =	vld [tilespmem:s17+$0xFFFFFFF0];
	_ =	sdelay $0x2  }
0x52: {  	v5 =	vshll.u32 v5, $0x3;
	v7 =	vadd.s32 v2, v7  }
0x53: {  	s18 =	simm.s32 $0x0;
	s19 =	simm.s32 $0x60;
	v6 =	vshll.u32 v6, $0x3;
	v5 =	vadd.s32 v2, v5;
	[tilespmem:s17+$0xFFFFFFE0] =	vst v7  }
.LBB2_6:
0x54: {  	v7 =	vld [tilespmem:s19+$0xFFFFFFE0];
	v4 =	vshll.u32 v4, $0x3;
	[tilespmem:s17+$0x0] =	vst v5;
	v5 =	vadd.s32 v2, v6  }
0x55: {  	s18 =	sadd.s32 $0x4, s18;
	v6 =	vld [tilespmem:s19+$0x0];
	v4 =	vadd.s32 v2, v4;
	[tilespmem:s17+$0x10] =	vst v5  }
0x56: {  	p0 =	slt.u32 s18, $0xFC;
	v8 =	vld [tilespmem:s19+$0x10];
	[tilespmem:s17+$0xFFFFFFF0] =	vst v4;
	s17 =	smov.u32 s19  }
.Ltmp2:
0x57: {  	v4 =	vld [tilespmem:s19+$0xFFFFFFF0];
	(pc) =	sbr.rel @p0 .LBB2_6-.Ltmp2, $4  }
0x58: {  	_ = 	snop  }
0x59: {  	v5 =	vshll.u32 v7, $0x3  }
0x5a: {  	v5 =	vadd.s32 v2, v5;
	v6 =	vshll.u32 v6, $0x3  }
0x5b: {  	s19 =	sadd.s32 $0x40, s19;
	[tilespmem:s17+$0xFFFFFFE0] =	vst v5;
	v5 =	vadd.s32 v2, v6;
	v6 =	vshll.u32 v8, $0x3  }
0x5c: {  	v4 =	vshll.u32 v4, $0x3;
	[tilespmem:s17+$0x0] =	vst v5;
	v5 =	vadd.s32 v2, v6  }
0x5d: {  	v4 =	vadd.s32 v2, v4;
	[tilespmem:s17+$0x10] =	vst v5  }
0x5e: {  	[tilespmem:s17+$0xFFFFFFF0] =	vst v4  }
0x5f: {  	[tilespmem:s14], [sflag:$0x1] =	stream.indirect.gather [hbm4b:s3+s14], $0x10, s1, s14, $0xb8;
	[tilespmem:$0x11000] =	vst v63  }
0x60: {  	_ =	swait.ge [sflag:s15], $0x10000  }
0x61: {  	[sflag:s15] =	ssyncset.done $0x0  }
0x62: {  	[sflag:s15] =	ssyncadd.s32 $0xFFFF0000  }
0x63: {  	[hbm4b:s9+s1] =	stream.linear.scatter [tilespmem:s14], [sflag:$0x2], $0x10000, $0x38;
	[tilespmem:$0x11000] =	vst v63  }
0x64: {  	_ =	swait.ge [sflag:s13], $0x10000  }
0x65: {  	[sflag:s13] =	ssyncset.done $0x0  }
0x66: {  	[sflag:s13] =	ssyncadd.s32 $0xFFFF0000  }
0x67: {  	[tilespmem:s1], [sflag:$0x2] =	stream.linear.gather [hbm4b:s10+s1], $0x1000, $0x38;
	[tilespmem:$0x11000] =	vst v63  }
0x68: {  	_ =	swait.ge [sflag:s13], $0x1000  }
0x69: {  	[sflag:s13] =	ssyncset.done $0x0  }
0x6a: {  	s17 =	simm.s32 $0x20;
	[sflag:s13] =	ssyncadd.s32 $0xFFFFF000  }
0x6b: {  	v4 =	vld [tilespmem:s17+$0xFFFFFFE0]  }
0x6c: {  	v5 =	vld [tilespmem:s17+$0x0]  }
0x6d: {  	v6 =	vld [tilespmem:s17+$0x10]  }
0x6e: {  	v7 =	vld [tilespmem:s17+$0xFFFFFFF0];
	_ =	sdelay $0x1  }
0x6f: {  	v4 =	vshll.u32 v4, $0x3  }
0x70: {  	v5 =	vshll.u32 v5, $0x3;
	v4 =	vadd.s32 v3, v4  }
0x71: {  	v6 =	vshll.u32 v6, $0x3;
	v5 =	vadd.s32 v3, v5;
	v4 =	vnsel vm0, $0x0, v4  }
0x72: {  	s18 =	simm.s32 $0x0;
	s19 =	simm.s32 $0x60;
	v6 =	vadd.s32 v3, v6;
	v5 =	vnsel vm0, $0x0, v5;
	[tilespmem:s17+$0xFFFFFFE0] =	vst v4;
	v4 =	vshll.u32 v7, $0x3  }
.LBB2_8:
0x73: {  	v7 =	vld [tilespmem:s19+$0xFFFFFFE0];
	v4 =	vadd.s32 v3, v4;
	[tilespmem:s17+$0x0] =	vst v5;
	v5 =	vnsel vm0, $0x0, v6  }
0x74: {  	v6 =	vld [tilespmem:s19+$0x0];
	v4 =	vnsel vm0, $0x0, v4;
	[tilespmem:s17+$0x10] =	vst v5  }
0x75: {  	s18 =	sadd.s32 $0x4, s18;
	v5 =	vld [tilespmem:s19+$0x10];
	[tilespmem:s17+$0xFFFFFFF0] =	vst v4;
	s17 =	smov.u32 s19  }
0x76: {  	p0 =	slt.u32 s18, $0xFC;
	v4 =	vld [tilespmem:s19+$0xFFFFFFF0]  }
.Ltmp3:
0x77: {  	(pc) =	sbr.rel @p0 .LBB2_8-.Ltmp3, $4  }
0x78: {  	v7 =	vshll.u32 v7, $0x3  }
0x79: {  	v7 =	vadd.s32 v3, v7;
	v6 =	vshll.u32 v6, $0x3  }
0x7a: {  	v7 =	vnsel vm0, $0x0, v7;
	v6 =	vadd.s32 v3, v6;
	v8 =	vshll.u32 v5, $0x3  }
0x7b: {  	s19 =	sadd.s32 $0x40, s19;
	[tilespmem:s17+$0xFFFFFFE0] =	vst v7;
	v4 =	vshll.u32 v4, $0x3;
	v5 =	vnsel vm0, $0x0, v6;
	v6 =	vadd.s32 v3, v8  }
0x7c: {  	v4 =	vadd.s32 v3, v4;
	[tilespmem:s17+$0x0] =	vst v5;
	v5 =	vnsel vm0, $0x0, v6  }
0x7d: {  	v4 =	vnsel vm0, $0x0, v4;
	[tilespmem:s17+$0x10] =	vst v5  }
0x7e: {  	[tilespmem:s17+$0xFFFFFFF0] =	vst v4  }
0x7f: {  	[tilespmem:s14], [sflag:$0x1] =	stream.indirect.gather [hbm4b:s3+s14], $0x10, s1, s14, $0xb8;
	[tilespmem:$0x11000] =	vst v63  }
0x80: {  	s16 =	sadd.s32 $0x1, s16;
	_ =	swait.ge [sflag:s15], $0x10000  }
0x81: {  	p0 =	sne.s32 s16, s12;
	[sflag:s15] =	ssyncset.done $0x0  }
.Ltmp4:
0x82: {  	[sflag:s15] =	ssyncadd.s32 $0xFFFF0000;
	(pc) =	sbr.rel @p0 .LBB2_1-.Ltmp4, $4  }
0x83: {  	[hbm4b:s11+s1] =	stream.linear.scatter [tilespmem:s14], [sflag:$0x2], $0x10000, $0x38;
	[tilespmem:$0x11000] =	vst v63  }
0x84: {  	_ =	swait.ge [sflag:s13], $0x10000  }
0x85: {  	[sflag:s13] =	ssyncset.done $0x0  }
0x86: {  	[sflag:s13] =	ssyncadd.s32 $0xFFFF0000  }
0x87: {  	_ =	sfence.sel $0x180000  }
0x88: {  	[bflag:$0x0] =	sbarrier.arrive $0xFFFF  }
0x89: {  	p0 =	sne.s32 s2, $0x0;
	_ =	strace $0x90000047  }
0x8a: {  	s0 =	sadd.s32 @!p0 $0x100000, s0;
	[bflag:$0x2] =	sbarrier.arrive $0xFFFF  }
0x8b: {  	[sflag:s0] =	ssyncadd.tile.s32 @!p0 $0x1;
	_ =	shalt  }
.Lfunc_end2:
_tile_overlayer_lowered:
.L_overlay_start_2:
0x8c: {  	(tag) =	ssettag $0x2  }
0x8d: {  	s0 =	rddreg [dreg:$0x0];
	s2 =	stileid.u32  }
0x8e: {  	s1 =	rddreg [dreg:$0x1];
	p0 =	sne.s32 s2, $0x0  }
0x8f: {  	s3 =	rddreg [dreg:$0x2];
	[bflag:$0x3] =	sbarrier.arrive $0xFFFF;
	s2 =	simm.s32 @!p0 $0x1C02  }
0x90: {  	[timem:s3], [sflag:s2] =	dma.local @!p0 [hbm:s0], s1  }
0x91: {  	s0 =	simm.s32 @!p0 $0x2  }
0x92: {  	_ =	swait.ge @!p0 [sflag:s0], s1  }
0x93: {  	s1 =	ssub.s32 @!p0 $0x0, s1;
	[sflag:s0] =	ssyncset.done @!p0 $0x0  }
0x94: {  	[sflag:s0] =	ssyncadd.s32 @!p0 s1  }
0x95: {  	[bflag:$0x3] =	sbarrier.arrive $0xFFFF  }
0x96: {  	_ =	shalt  }

</sc_bundles>
